<compile_context>
chip_gen: v7x
topology: tpu7x:2x2x1
jax: 0.10.2.dev20260603
libtpu: 0.0.44.dev20260713+nightly
codegen_flags: <defaults>
</compile_context>

<pallas_src>
import functools
import math

import jax
import jax.numpy as jnp
from jax.experimental import pallas as pl
from jax.experimental.pallas import tpu as pltpu
from jax.experimental.pallas import tpu_sc as plsc

D_MODEL = 128
SCALE = math.sqrt(D_MODEL)
WINDOW = 128


NC = 2
NS = 16
NW = NC * NS


RING = 5
LAG = 2


def _sc_gather(scaled_lut, idx):
    from jax import lax

    b = idx.shape[0]
    b_per_w = b // NW
    n_chunks = b_per_w // WINDOW
    assert n_chunks % RING == 0 and n_chunks > RING
    mesh = plsc.VectorSubcoreMesh(core_axis_name="c", subcore_axis_name="s")

    scratch = (
        [pltpu.VMEM((b_per_w,), jnp.int32)]
        + [pltpu.VMEM((WINDOW, D_MODEL), jnp.float32) for _ in range(RING)]
        + [pltpu.SemaphoreType.DMA for _ in range(2 * RING)]
    )

    @functools.partial(
        pl.kernel,
        out_type=jax.ShapeDtypeStruct((b, D_MODEL), jnp.float32),
        mesh=mesh,
        scratch_types=scratch,
    )
    def k(lut_hbm, i_hbm, o_hbm, *scr):
        idx_all = scr[0]
        buf = scr[1 : 1 + RING]
        gsem = scr[1 + RING : 1 + 2 * RING]
        osem = scr[1 + 2 * RING :]

        wid = lax.axis_index("c") * NS + lax.axis_index("s")
        base = wid * b_per_w

        def gather(j, bslot):
            return pltpu.make_async_copy(
                lut_hbm.at[idx_all.at[pl.ds(j * WINDOW, WINDOW)]],
                buf[bslot],
                gsem[bslot],
            )

        def scale_buf(bslot):
            bref = buf[bslot]

            @pl.loop(0, WINDOW)
            def _(r):
                for c in range(0, D_MODEL, 16):
                    bref[r, pl.ds(c, 16)] = bref[r, pl.ds(c, 16)] * SCALE

        def out_copy(j, bslot):
            return pltpu.make_async_copy(
                buf[bslot], o_hbm.at[pl.ds(base + j * WINDOW, WINDOW)], osem[bslot]
            )

        pltpu.sync_copy(i_hbm.at[pl.ds(base, b_per_w)], idx_all)

        for j in range(RING):
            gather(j, j).start()
            if j >= LAG:
                gather(j - LAG, j - LAG).wait()
                scale_buf(j - LAG)
                out_copy(j - LAG, j - LAG).start()

        @pl.loop(RING, n_chunks, step=RING)
        def _(g):
            for s in range(RING):
                j = g + s
                out_copy(j - RING, s).wait()
                gather(j, s).start()
                ls = (s - LAG) % RING
                gather(j - LAG, ls).wait()
                scale_buf(ls)
                out_copy(j - LAG, ls).start()

        for j in range(n_chunks, n_chunks + LAG):
            ls = (j - LAG) % RING
            gather(j - LAG, ls).wait()
            scale_buf(ls)
            out_copy(j - LAG, ls).start()
        for j in range(n_chunks - RING, n_chunks):
            out_copy(j, j % RING).wait()

    return k(scaled_lut, idx)


def kernel(x, lut):
    rows, cols = x.shape
    idx = x.reshape(-1).astype(jnp.int32)
    out = _sc_gather(lut, idx)
    return out.reshape(rows, cols, D_MODEL)

# --- scband reference (transcript-rebuilt; emitter-appended) ---
"""Pipeline reference for scband-embeddings-64750926955127 (READ-ONLY COPY).

The authoritative reference and input builder live on the scoring server;
editing this copy changes nothing except your own understanding.
"""

import jax, jax.numpy as jnp
import numpy as np
import math

D_MODEL = 128
VOCAB = 100000

def setup_inputs(seed: int = 0) -> dict:
    key = jax.random.key(seed)
    k1, k2 = jax.random.split(key)
    x = jax.random.randint(k1, (4096, 200), 0, VOCAB, dtype=jnp.int64)
    lut = jax.random.normal(k2, (VOCAB, D_MODEL), dtype=jnp.float32)
    return {"x": x, "lut": lut}

def reference(x, lut):
    # Embeddings.forward: self.lut(x) * math.sqrt(self.d_model)
    out = jnp.take(lut, x, axis=0) * math.sqrt(D_MODEL)
    return out

if __name__ == "__main__":
    import jax
    _d = setup_inputs()
    print(jax.jit(kernel)(*tuple(_d.values())))

</pallas_src>

<mosaic_0001>
#map = affine_map<(d0, d1) -> (0, 0)>
#map1 = affine_map<(d0, d1) -> (0)>
module attributes {stable_mosaic.version = 14 : i64} {
  func.func @k(%arg0: i32, %arg1: i32, %arg2: memref<100000x128xf32, #tpu.memory_space<hbm>>, %arg3: memref<819200xi32, #tpu.memory_space<hbm>>, %arg4: memref<819200x128xf32, #tpu.memory_space<hbm>>, %arg5: memref<25600xi32, #tpu.memory_space<vmem>>, %arg6: memref<128x128xf32, #tpu.memory_space<vmem>>, %arg7: memref<128x128xf32, #tpu.memory_space<vmem>>, %arg8: memref<128x128xf32, #tpu.memory_space<vmem>>, %arg9: memref<128x128xf32, #tpu.memory_space<vmem>>, %arg10: memref<128x128xf32, #tpu.memory_space<vmem>>, %arg11: memref<!tpu.dma_semaphore, #tpu.memory_space<semaphore_mem>>, %arg12: memref<!tpu.dma_semaphore, #tpu.memory_space<semaphore_mem>>, %arg13: memref<!tpu.dma_semaphore, #tpu.memory_space<semaphore_mem>>, %arg14: memref<!tpu.dma_semaphore, #tpu.memory_space<semaphore_mem>>, %arg15: memref<!tpu.dma_semaphore, #tpu.memory_space<semaphore_mem>>, %arg16: memref<!tpu.dma_semaphore, #tpu.memory_space<semaphore_mem>>, %arg17: memref<!tpu.dma_semaphore, #tpu.memory_space<semaphore_mem>>, %arg18: memref<!tpu.dma_semaphore, #tpu.memory_space<semaphore_mem>>, %arg19: memref<!tpu.dma_semaphore, #tpu.memory_space<semaphore_mem>>, %arg20: memref<!tpu.dma_semaphore, #tpu.memory_space<semaphore_mem>>) attributes {dimension_semantics = [#tpu.dimension_semantics<core_parallel>, #tpu.dimension_semantics<subcore_parallel>], iteration_bounds = array<i64: 2, 16>, scalar_prefetch = 0 : i64, scratch_operands = 16 : i64, tpu.core_type = #tpu.core_type<sc_vector_subcore>, window_params = [{transform_indices = #map}, {transform_indices = #map1}, {transform_indices = #map}]} {
    %mul3A = arith.constant 16 : i32
    %mul3A_0 = arith.muli %arg0, %mul3A : i32
    %add3A = arith.addi %mul3A_0, %arg1 : i32
    %mul3A_1 = arith.constant 25600 : i32
    %mul3A_2 = arith.muli %add3A, %mul3A_1 : i32
    "tpu.region"() ({
      %run_scoped3A = tpu.sem_alloc : memref<!tpu.dma_semaphore, #tpu.memory_space<semaphore_mem>>
      %dma_start3A_140 = tpu.memref_slice %arg3[%mul3A_2] : memref<819200xi32, #tpu.memory_space<hbm>> -> memref<25600xi32, #tpu.memory_space<hbm>>
      %dma_start3A_141 = tpu.memref_slice %arg3[%mul3A_2] : memref<819200xi32, #tpu.memory_space<hbm>> -> memref<25600xi32, #tpu.memory_space<hbm>>
      tpu.enqueue_dma source(%dma_start3A_141 : memref<25600xi32, #tpu.memory_space<hbm>>) target(%arg5 : memref<25600xi32, #tpu.memory_space<vmem>>) target_semaphore(%run_scoped3A : memref<!tpu.dma_semaphore, #tpu.memory_space<semaphore_mem>>)
      %dma_wait3A_142 = tpu.memref_slice %arg3[%mul3A_2] : memref<819200xi32, #tpu.memory_space<hbm>> -> memref<25600xi32, #tpu.memory_space<hbm>>
      %dma_wait3A_143 = tpu.memref_slice %arg3[%mul3A_2] : memref<819200xi32, #tpu.memory_space<hbm>> -> memref<25600xi32, #tpu.memory_space<hbm>>
      tpu.wait_dma2 semaphore(%run_scoped3A : memref<!tpu.dma_semaphore, #tpu.memory_space<semaphore_mem>>) src(%dma_wait3A_143 : memref<25600xi32, #tpu.memory_space<hbm>>) dst(%arg5 : memref<25600xi32, #tpu.memory_space<vmem>>)
      tpu.yield
    }) : () -> ()
    %dma_start3A = arith.constant 0 : i32
    %dma_start3A_3 = tpu.memref_slice %arg5[%dma_start3A] : memref<25600xi32, #tpu.memory_space<vmem>> -> memref<128xi32, #tpu.memory_space<vmem>>
    %dma_start3A_4 = arith.constant 0 : i32
    %dma_start3A_5 = arith.constant 0 : i32
    %dma_start3A_6 = tpu.memref_slice %arg2[%dma_start3A_4, %dma_start3A_5] : memref<100000x128xf32, #tpu.memory_space<hbm>> -> memref<100000x128xf32, #tpu.memory_space<hbm>>
    tpu.enqueue_indirect_dma source(%dma_start3A_6 : memref<100000x128xf32, #tpu.memory_space<hbm>>) target(%arg6 : memref<128x128xf32, #tpu.memory_space<vmem>>) offsets(%dma_start3A_3 : memref<128xi32, #tpu.memory_space<vmem>>) semaphore(%arg11 : memref<!tpu.dma_semaphore, #tpu.memory_space<semaphore_mem>>)
    %dma_start3A_7 = arith.constant 128 : i32
    %dma_start3A_8 = tpu.memref_slice %arg5[%dma_start3A_7] : memref<25600xi32, #tpu.memory_space<vmem>> -> memref<128xi32, #tpu.memory_space<vmem>>
    %dma_start3A_9 = arith.constant 0 : i32
    %dma_start3A_10 = arith.constant 0 : i32
    %dma_start3A_11 = tpu.memref_slice %arg2[%dma_start3A_9, %dma_start3A_10] : memref<100000x128xf32, #tpu.memory_space<hbm>> -> memref<100000x128xf32, #tpu.memory_space<hbm>>
    tpu.enqueue_indirect_dma source(%dma_start3A_11 : memref<100000x128xf32, #tpu.memory_space<hbm>>) target(%arg7 : memref<128x128xf32, #tpu.memory_space<vmem>>) offsets(%dma_start3A_8 : memref<128xi32, #tpu.memory_space<vmem>>) semaphore(%arg12 : memref<!tpu.dma_semaphore, #tpu.memory_space<semaphore_mem>>)
    %dma_start3A_12 = arith.constant 256 : i32
    %dma_start3A_13 = tpu.memref_slice %arg5[%dma_start3A_12] : memref<25600xi32, #tpu.memory_space<vmem>> -> memref<128xi32, #tpu.memory_space<vmem>>
    %dma_start3A_14 = arith.constant 0 : i32
    %dma_start3A_15 = arith.constant 0 : i32
    %dma_start3A_16 = tpu.memref_slice %arg2[%dma_start3A_14, %dma_start3A_15] : memref<100000x128xf32, #tpu.memory_space<hbm>> -> memref<100000x128xf32, #tpu.memory_space<hbm>>
    tpu.enqueue_indirect_dma source(%dma_start3A_16 : memref<100000x128xf32, #tpu.memory_space<hbm>>) target(%arg8 : memref<128x128xf32, #tpu.memory_space<vmem>>) offsets(%dma_start3A_13 : memref<128xi32, #tpu.memory_space<vmem>>) semaphore(%arg13 : memref<!tpu.dma_semaphore, #tpu.memory_space<semaphore_mem>>)
    %dma_wait3A = arith.constant 0 : i32
    %dma_wait3A_17 = tpu.memref_slice %arg5[%dma_wait3A] : memref<25600xi32, #tpu.memory_space<vmem>> -> memref<128xi32, #tpu.memory_space<vmem>>
    %dma_wait3A_18 = arith.constant 0 : i32
    %dma_wait3A_19 = arith.constant 0 : i32
    %dma_wait3A_20 = tpu.memref_slice %arg2[%dma_wait3A_18, %dma_wait3A_19] : memref<100000x128xf32, #tpu.memory_space<hbm>> -> memref<100000x128xf32, #tpu.memory_space<hbm>>
    tpu.wait_indirect_dma semaphore(%arg11 : memref<!tpu.dma_semaphore, #tpu.memory_space<semaphore_mem>>) src(%dma_wait3A_20 : memref<100000x128xf32, #tpu.memory_space<hbm>>) dst(%arg6 : memref<128x128xf32, #tpu.memory_space<vmem>>)
    %scan3A = arith.constant 0 : i32
    %scan3A_21 = arith.constant 128 : i32
    %scan3A_22 = arith.addi %scan3A, %scan3A_21 : i32
    %scan3A_23 = arith.constant 1 : i32
    scf.for %scan3A_140 = %scan3A to %scan3A_22 step %scan3A_23  : i32 {
      %mul3A_141 = arith.constant 1 : i32
      %mul3A_142 = arith.muli %scan3A_140, %mul3A_141 : i32
      %add3A_143 = arith.constant 0 : i32
      %add3A_144 = arith.addi %add3A_143, %mul3A_142 : i32
      %get3A = arith.index_cast %add3A_144 : i32 to index
      %get3A_145 = arith.constant 0 : index
      %get3A_146 = tpu.vector_load %arg6[%get3A, %get3A_145] {strides = array<i32>} : memref<128x128xf32, #tpu.memory_space<vmem>>, vector<1x16xf32>,
      %get3A_147 = vector.shape_cast %get3A_146 : vector<1x16xf32> to vector<16xf32>
      %mul3A_148 = arith.constant 11.3137083 : f32
      %mul3A_149 = vector.broadcast %mul3A_148 : f32 to vector<16xf32>
      %mul3A_150 = arith.mulf %get3A_147, %mul3A_149 : vector<16xf32>
      %swap3A = arith.index_cast %add3A_144 : i32 to index
      %swap3A_151 = arith.constant 0 : index
      %swap3A_152 = tpu.vector_load %arg6[%swap3A, %swap3A_151] {strides = array<i32>} : memref<128x128xf32, #tpu.memory_space<vmem>>, vector<1x16xf32>,
      %swap3A_153 = vector.shape_cast %swap3A_152 : vector<1x16xf32> to vector<16xf32>
      %swap3A_154 = vector.shape_cast %mul3A_150 : vector<16xf32> to vector<1x16xf32>
      tpu.vector_store %arg6[%swap3A, %swap3A_151], %swap3A_154 {strides = array<i32>} : memref<128x128xf32, #tpu.memory_space<vmem>>, vector<1x16xf32>,
      %get3A_155 = arith.index_cast %add3A_144 : i32 to index
      %get3A_156 = arith.constant 16 : index
      %get3A_157 = tpu.vector_load %arg6[%get3A_155, %get3A_156] {strides = array<i32>} : memref<128x128xf32, #tpu.memory_space<vmem>>, vector<1x16xf32>,
      %get3A_158 = vector.shape_cast %get3A_157 : vector<1x16xf32> to vector<16xf32>
      %mul3A_159 = arith.constant 11.3137083 : f32
      %mul3A_160 = vector.broadcast %mul3A_159 : f32 to vector<16xf32>
      %mul3A_161 = arith.mulf %get3A_158, %mul3A_160 : vector<16xf32>
      %swap3A_162 = arith.index_cast %add3A_144 : i32 to index
      %swap3A_163 = arith.constant 16 : index
      %swap3A_164 = tpu.vector_load %arg6[%swap3A_162, %swap3A_163] {strides = array<i32>} : memref<128x128xf32, #tpu.memory_space<vmem>>, vector<1x16xf32>,
      %swap3A_165 = vector.shape_cast %swap3A_164 : vector<1x16xf32> to vector<16xf32>
      %swap3A_166 = vector.shape_cast %mul3A_161 : vector<16xf32> to vector<1x16xf32>
      tpu.vector_store %arg6[%swap3A_162, %swap3A_163], %swap3A_166 {strides = array<i32>} : memref<128x128xf32, #tpu.memory_space<vmem>>, vector<1x16xf32>,
      %get3A_167 = arith.index_cast %add3A_144 : i32 to index
      %get3A_168 = arith.constant 32 : index
      %get3A_169 = tpu.vector_load %arg6[%get3A_167, %get3A_168] {strides = array<i32>} : memref<128x128xf32, #tpu.memory_space<vmem>>, vector<1x16xf32>,
      %get3A_170 = vector.shape_cast %get3A_169 : vector<1x16xf32> to vector<16xf32>
      %mul3A_171 = arith.constant 11.3137083 : f32
      %mul3A_172 = vector.broadcast %mul3A_171 : f32 to vector<16xf32>
      %mul3A_173 = arith.mulf %get3A_170, %mul3A_172 : vector<16xf32>
      %swap3A_174 = arith.index_cast %add3A_144 : i32 to index
      %swap3A_175 = arith.constant 32 : index
      %swap3A_176 = tpu.vector_load %arg6[%swap3A_174, %swap3A_175] {strides = array<i32>} : memref<128x128xf32, #tpu.memory_space<vmem>>, vector<1x16xf32>,
      %swap3A_177 = vector.shape_cast %swap3A_176 : vector<1x16xf32> to vector<16xf32>
      %swap3A_178 = vector.shape_cast %mul3A_173 : vector<16xf32> to vector<1x16xf32>
      tpu.vector_store %arg6[%swap3A_174, %swap3A_175], %swap3A_178 {strides = array<i32>} : memref<128x128xf32, #tpu.memory_space<vmem>>, vector<1x16xf32>,
      %get3A_179 = arith.index_cast %add3A_144 : i32 to index
      %get3A_180 = arith.constant 48 : index
      %get3A_181 = tpu.vector_load %arg6[%get3A_179, %get3A_180] {strides = array<i32>} : memref<128x128xf32, #tpu.memory_space<vmem>>, vector<1x16xf32>,
      %get3A_182 = vector.shape_cast %get3A_181 : vector<1x16xf32> to vector<16xf32>
      %mul3A_183 = arith.constant 11.3137083 : f32
      %mul3A_184 = vector.broadcast %mul3A_183 : f32 to vector<16xf32>
      %mul3A_185 = arith.mulf %get3A_182, %mul3A_184 : vector<16xf32>
      %swap3A_186 = arith.index_cast %add3A_144 : i32 to index
      %swap3A_187 = arith.constant 48 : index
      %swap3A_188 = tpu.vector_load %arg6[%swap3A_186, %swap3A_187] {strides = array<i32>} : memref<128x128xf32, #tpu.memory_space<vmem>>, vector<1x16xf32>,
      %swap3A_189 = vector.shape_cast %swap3A_188 : vector<1x16xf32> to vector<16xf32>
      %swap3A_190 = vector.shape_cast %mul3A_185 : vector<16xf32> to vector<1x16xf32>
      tpu.vector_store %arg6[%swap3A_186, %swap3A_187], %swap3A_190 {strides = array<i32>} : memref<128x128xf32, #tpu.memory_space<vmem>>, vector<1x16xf32>,
      %get3A_191 = arith.index_cast %add3A_144 : i32 to index
      %get3A_192 = arith.constant 64 : index
      %get3A_193 = tpu.vector_load %arg6[%get3A_191, %get3A_192] {strides = array<i32>} : memref<128x128xf32, #tpu.memory_space<vmem>>, vector<1x16xf32>,
      %get3A_194 = vector.shape_cast %get3A_193 : vector<1x16xf32> to vector<16xf32>
      %mul3A_195 = arith.constant 11.3137083 : f32
      %mul3A_196 = vector.broadcast %mul3A_195 : f32 to vector<16xf32>
      %mul3A_197 = arith.mulf %get3A_194, %mul3A_196 : vector<16xf32>
      %swap3A_198 = arith.index_cast %add3A_144 : i32 to index
      %swap3A_199 = arith.constant 64 : index
      %swap3A_200 = tpu.vector_load %arg6[%swap3A_198, %swap3A_199] {strides = array<i32>} : memref<128x128xf32, #tpu.memory_space<vmem>>, vector<1x16xf32>,
      %swap3A_201 = vector.shape_cast %swap3A_200 : vector<1x16xf32> to vector<16xf32>
      %swap3A_202 = vector.shape_cast %mul3A_197 : vector<16xf32> to vector<1x16xf32>
      tpu.vector_store %arg6[%swap3A_198, %swap3A_199], %swap3A_202 {strides = array<i32>} : memref<128x128xf32, #tpu.memory_space<vmem>>, vector<1x16xf32>,
      %get3A_203 = arith.index_cast %add3A_144 : i32 to index
      %get3A_204 = arith.constant 80 : index
      %get3A_205 = tpu.vector_load %arg6[%get3A_203, %get3A_204] {strides = array<i32>} : memref<128x128xf32, #tpu.memory_space<vmem>>, vector<1x16xf32>,
      %get3A_206 = vector.shape_cast %get3A_205 : vector<1x16xf32> to vector<16xf32>
      %mul3A_207 = arith.constant 11.3137083 : f32
      %mul3A_208 = vector.broadcast %mul3A_207 : f32 to vector<16xf32>
      %mul3A_209 = arith.mulf %get3A_206, %mul3A_208 : vector<16xf32>
      %swap3A_210 = arith.index_cast %add3A_144 : i32 to index
      %swap3A_211 = arith.constant 80 : index
      %swap3A_212 = tpu.vector_load %arg6[%swap3A_210, %swap3A_211] {strides = array<i32>} : memref<128x128xf32, #tpu.memory_space<vmem>>, vector<1x16xf32>,
      %swap3A_213 = vector.shape_cast %swap3A_212 : vector<1x16xf32> to vector<16xf32>
      %swap3A_214 = vector.shape_cast %mul3A_209 : vector<16xf32> to vector<1x16xf32>
      tpu.vector_store %arg6[%swap3A_210, %swap3A_211], %swap3A_214 {strides = array<i32>} : memref<128x128xf32, #tpu.memory_space<vmem>>, vector<1x16xf32>,
      %get3A_215 = arith.index_cast %add3A_144 : i32 to index
      %get3A_216 = arith.constant 96 : index
      %get3A_217 = tpu.vector_load %arg6[%get3A_215, %get3A_216] {strides = array<i32>} : memref<128x128xf32, #tpu.memory_space<vmem>>, vector<1x16xf32>,
      %get3A_218 = vector.shape_cast %get3A_217 : vector<1x16xf32> to vector<16xf32>
      %mul3A_219 = arith.constant 11.3137083 : f32
      %mul3A_220 = vector.broadcast %mul3A_219 : f32 to vector<16xf32>
      %mul3A_221 = arith.mulf %get3A_218, %mul3A_220 : vector<16xf32>
      %swap3A_222 = arith.index_cast %add3A_144 : i32 to index
      %swap3A_223 = arith.constant 96 : index
      %swap3A_224 = tpu.vector_load %arg6[%swap3A_222, %swap3A_223] {strides = array<i32>} : memref<128x128xf32, #tpu.memory_space<vmem>>, vector<1x16xf32>,
      %swap3A_225 = vector.shape_cast %swap3A_224 : vector<1x16xf32> to vector<16xf32>
      %swap3A_226 = vector.shape_cast %mul3A_221 : vector<16xf32> to vector<1x16xf32>
      tpu.vector_store %arg6[%swap3A_222, %swap3A_223], %swap3A_226 {strides = array<i32>} : memref<128x128xf32, #tpu.memory_space<vmem>>, vector<1x16xf32>,
      %get3A_227 = arith.index_cast %add3A_144 : i32 to index
      %get3A_228 = arith.constant 112 : index
      %get3A_229 = tpu.vector_load %arg6[%get3A_227, %get3A_228] {strides = array<i32>} : memref<128x128xf32, #tpu.memory_space<vmem>>, vector<1x16xf32>,
      %get3A_230 = vector.shape_cast %get3A_229 : vector<1x16xf32> to vector<16xf32>
      %mul3A_231 = arith.constant 11.3137083 : f32
      %mul3A_232 = vector.broadcast %mul3A_231 : f32 to vector<16xf32>
      %mul3A_233 = arith.mulf %get3A_230, %mul3A_232 : vector<16xf32>
      %swap3A_234 = arith.index_cast %add3A_144 : i32 to index
      %swap3A_235 = arith.constant 112 : index
      %swap3A_236 = tpu.vector_load %arg6[%swap3A_234, %swap3A_235] {strides = array<i32>} : memref<128x128xf32, #tpu.memory_space<vmem>>, vector<1x16xf32>,
      %swap3A_237 = vector.shape_cast %swap3A_236 : vector<1x16xf32> to vector<16xf32>
      %swap3A_238 = vector.shape_cast %mul3A_233 : vector<16xf32> to vector<1x16xf32>
      tpu.vector_store %arg6[%swap3A_234, %swap3A_235], %swap3A_238 {strides = array<i32>} : memref<128x128xf32, #tpu.memory_space<vmem>>, vector<1x16xf32>,
    }
    %scan3A_24 = arith.constant 128 : i32
    %add3A_25 = arith.constant 0 : i32
    %add3A_26 = arith.addi %mul3A_2, %add3A_25 : i32
    %dma_start3A_27 = arith.constant 0 : i32
    %dma_start3A_28 = tpu.memref_slice %arg4[%add3A_26, %dma_start3A_27] : memref<819200x128xf32, #tpu.memory_space<hbm>> -> memref<128x128xf32, #tpu.memory_space<hbm>>
    %dma_start3A_29 = arith.constant 0 : i32
    %dma_start3A_30 = tpu.memref_slice %arg4[%add3A_26, %dma_start3A_29] : memref<819200x128xf32, #tpu.memory_space<hbm>> -> memref<128x128xf32, #tpu.memory_space<hbm>>
    tpu.enqueue_dma source(%arg6 : memref<128x128xf32, #tpu.memory_space<vmem>>) target(%dma_start3A_30 : memref<128x128xf32, #tpu.memory_space<hbm>>) target_semaphore(%arg16 : memref<!tpu.dma_semaphore, #tpu.memory_space<semaphore_mem>>)
    %dma_start3A_31 = arith.constant 384 : i32
    %dma_start3A_32 = tpu.memref_slice %arg5[%dma_start3A_31] : memref<25600xi32, #tpu.memory_space<vmem>> -> memref<128xi32, #tpu.memory_space<vmem>>
    %dma_start3A_33 = arith.constant 0 : i32
    %dma_start3A_34 = arith.constant 0 : i32
    %dma_start3A_35 = tpu.memref_slice %arg2[%dma_start3A_33, %dma_start3A_34] : memref<100000x128xf32, #tpu.memory_space<hbm>> -> memref<100000x128xf32, #tpu.memory_space<hbm>>
    tpu.enqueue_indirect_dma source(%dma_start3A_35 : memref<100000x128xf32, #tpu.memory_space<hbm>>) target(%arg9 : memref<128x128xf32, #tpu.memory_space<vmem>>) offsets(%dma_start3A_32 : memref<128xi32, #tpu.memory_space<vmem>>) semaphore(%arg14 : memref<!tpu.dma_semaphore, #tpu.memory_space<semaphore_mem>>)
    %dma_wait3A_36 = arith.constant 128 : i32
    %dma_wait3A_37 = tpu.memref_slice %arg5[%dma_wait3A_36] : memref<25600xi32, #tpu.memory_space<vmem>> -> memref<128xi32, #tpu.memory_space<vmem>>
    %dma_wait3A_38 = arith.constant 0 : i32
    %dma_wait3A_39 = arith.constant 0 : i32
    %dma_wait3A_40 = tpu.memref_slice %arg2[%dma_wait3A_38, %dma_wait3A_39] : memref<100000x128xf32, #tpu.memory_space<hbm>> -> memref<100000x128xf32, #tpu.memory_space<hbm>>
    tpu.wait_indirect_dma semaphore(%arg12 : memref<!tpu.dma_semaphore, #tpu.memory_space<semaphore_mem>>) src(%dma_wait3A_40 : memref<100000x128xf32, #tpu.memory_space<hbm>>) dst(%arg7 : memref<128x128xf32, #tpu.memory_space<vmem>>)
    %scan3A_41 = arith.constant 0 : i32
    %scan3A_42 = arith.constant 128 : i32
    %scan3A_43 = arith.addi %scan3A_41, %scan3A_42 : i32
    %scan3A_44 = arith.constant 1 : i32
    scf.for %scan3A_140 = %scan3A_41 to %scan3A_43 step %scan3A_44  : i32 {
      %mul3A_141 = arith.constant 1 : i32
      %mul3A_142 = arith.muli %scan3A_140, %mul3A_141 : i32
      %add3A_143 = arith.constant 0 : i32
      %add3A_144 = arith.addi %add3A_143, %mul3A_142 : i32
      %get3A = arith.index_cast %add3A_144 : i32 to index
      %get3A_145 = arith.constant 0 : index
      %get3A_146 = tpu.vector_load %arg7[%get3A, %get3A_145] {strides = array<i32>} : memref<128x128xf32, #tpu.memory_space<vmem>>, vector<1x16xf32>,
      %get3A_147 = vector.shape_cast %get3A_146 : vector<1x16xf32> to vector<16xf32>
      %mul3A_148 = arith.constant 11.3137083 : f32
      %mul3A_149 = vector.broadcast %mul3A_148 : f32 to vector<16xf32>
      %mul3A_150 = arith.mulf %get3A_147, %mul3A_149 : vector<16xf32>
      %swap3A = arith.index_cast %add3A_144 : i32 to index
      %swap3A_151 = arith.constant 0 : index
      %swap3A_152 = tpu.vector_load %arg7[%swap3A, %swap3A_151] {strides = array<i32>} : memref<128x128xf32, #tpu.memory_space<vmem>>, vector<1x16xf32>,
      %swap3A_153 = vector.shape_cast %swap3A_152 : vector<1x16xf32> to vector<16xf32>
      %swap3A_154 = vector.shape_cast %mul3A_150 : vector<16xf32> to vector<1x16xf32>
      tpu.vector_store %arg7[%swap3A, %swap3A_151], %swap3A_154 {strides = array<i32>} : memref<128x128xf32, #tpu.memory_space<vmem>>, vector<1x16xf32>,
      %get3A_155 = arith.index_cast %add3A_144 : i32 to index
      %get3A_156 = arith.constant 16 : index
      %get3A_157 = tpu.vector_load %arg7[%get3A_155, %get3A_156] {strides = array<i32>} : memref<128x128xf32, #tpu.memory_space<vmem>>, vector<1x16xf32>,
      %get3A_158 = vector.shape_cast %get3A_157 : vector<1x16xf32> to vector<16xf32>
      %mul3A_159 = arith.constant 11.3137083 : f32
      %mul3A_160 = vector.broadcast %mul3A_159 : f32 to vector<16xf32>
      %mul3A_161 = arith.mulf %get3A_158, %mul3A_160 : vector<16xf32>
      %swap3A_162 = arith.index_cast %add3A_144 : i32 to index
      %swap3A_163 = arith.constant 16 : index
      %swap3A_164 = tpu.vector_load %arg7[%swap3A_162, %swap3A_163] {strides = array<i32>} : memref<128x128xf32, #tpu.memory_space<vmem>>, vector<1x16xf32>,
      %swap3A_165 = vector.shape_cast %swap3A_164 : vector<1x16xf32> to vector<16xf32>
      %swap3A_166 = vector.shape_cast %mul3A_161 : vector<16xf32> to vector<1x16xf32>
      tpu.vector_store %arg7[%swap3A_162, %swap3A_163], %swap3A_166 {strides = array<i32>} : memref<128x128xf32, #tpu.memory_space<vmem>>, vector<1x16xf32>,
      %get3A_167 = arith.index_cast %add3A_144 : i32 to index
      %get3A_168 = arith.constant 32 : index
      %get3A_169 = tpu.vector_load %arg7[%get3A_167, %get3A_168] {strides = array<i32>} : memref<128x128xf32, #tpu.memory_space<vmem>>, vector<1x16xf32>,
      %get3A_170 = vector.shape_cast %get3A_169 : vector<1x16xf32> to vector<16xf32>
      %mul3A_171 = arith.constant 11.3137083 : f32
      %mul3A_172 = vector.broadcast %mul3A_171 : f32 to vector<16xf32>
      %mul3A_173 = arith.mulf %get3A_170, %mul3A_172 : vector<16xf32>
      %swap3A_174 = arith.index_cast %add3A_144 : i32 to index
      %swap3A_175 = arith.constant 32 : index
      %swap3A_176 = tpu.vector_load %arg7[%swap3A_174, %swap3A_175] {strides = array<i32>} : memref<128x128xf32, #tpu.memory_space<vmem>>, vector<1x16xf32>,
      %swap3A_177 = vector.shape_cast %swap3A_176 : vector<1x16xf32> to vector<16xf32>
      %swap3A_178 = vector.shape_cast %mul3A_173 : vector<16xf32> to vector<1x16xf32>
      tpu.vector_store %arg7[%swap3A_174, %swap3A_175], %swap3A_178 {strides = array<i32>} : memref<128x128xf32, #tpu.memory_space<vmem>>, vector<1x16xf32>,
      %get3A_179 = arith.index_cast %add3A_144 : i32 to index
      %get3A_180 = arith.constant 48 : index
      %get3A_181 = tpu.vector_load %arg7[%get3A_179, %get3A_180] {strides = array<i32>} : memref<128x128xf32, #tpu.memory_space<vmem>>, vector<1x16xf32>,
      %get3A_182 = vector.shape_cast %get3A_181 : vector<1x16xf32> to vector<16xf32>
      %mul3A_183 = arith.constant 11.3137083 : f32
      %mul3A_184 = vector.broadcast %mul3A_183 : f32 to vector<16xf32>
      %mul3A_185 = arith.mulf %get3A_182, %mul3A_184 : vector<16xf32>
      %swap3A_186 = arith.index_cast %add3A_144 : i32 to index
      %swap3A_187 = arith.constant 48 : index
      %swap3A_188 = tpu.vector_load %arg7[%swap3A_186, %swap3A_187] {strides = array<i32>} : memref<128x128xf32, #tpu.memory_space<vmem>>, vector<1x16xf32>,
      %swap3A_189 = vector.shape_cast %swap3A_188 : vector<1x16xf32> to vector<16xf32>
      %swap3A_190 = vector.shape_cast %mul3A_185 : vector<16xf32> to vector<1x16xf32>
      tpu.vector_store %arg7[%swap3A_186, %swap3A_187], %swap3A_190 {strides = array<i32>} : memref<128x128xf32, #tpu.memory_space<vmem>>, vector<1x16xf32>,
      %get3A_191 = arith.index_cast %add3A_144 : i32 to index
      %get3A_192 = arith.constant 64 : index
      %get3A_193 = tpu.vector_load %arg7[%get3A_191, %get3A_192] {strides = array<i32>} : memref<128x128xf32, #tpu.memory_space<vmem>>, vector<1x16xf32>,
      %get3A_194 = vector.shape_cast %get3A_193 : vector<1x16xf32> to vector<16xf32>
      %mul3A_195 = arith.constant 11.3137083 : f32
      %mul3A_196 = vector.broadcast %mul3A_195 : f32 to vector<16xf32>
      %mul3A_197 = arith.mulf %get3A_194, %mul3A_196 : vector<16xf32>
      %swap3A_198 = arith.index_cast %add3A_144 : i32 to index
      %swap3A_199 = arith.constant 64 : index
      %swap3A_200 = tpu.vector_load %arg7[%swap3A_198, %swap3A_199] {strides = array<i32>} : memref<128x128xf32, #tpu.memory_space<vmem>>, vector<1x16xf32>,
      %swap3A_201 = vector.shape_cast %swap3A_200 : vector<1x16xf32> to vector<16xf32>
      %swap3A_202 = vector.shape_cast %mul3A_197 : vector<16xf32> to vector<1x16xf32>
      tpu.vector_store %arg7[%swap3A_198, %swap3A_199], %swap3A_202 {strides = array<i32>} : memref<128x128xf32, #tpu.memory_space<vmem>>, vector<1x16xf32>,
      %get3A_203 = arith.index_cast %add3A_144 : i32 to index
      %get3A_204 = arith.constant 80 : index
      %get3A_205 = tpu.vector_load %arg7[%get3A_203, %get3A_204] {strides = array<i32>} : memref<128x128xf32, #tpu.memory_space<vmem>>, vector<1x16xf32>,
      %get3A_206 = vector.shape_cast %get3A_205 : vector<1x16xf32> to vector<16xf32>
      %mul3A_207 = arith.constant 11.3137083 : f32
      %mul3A_208 = vector.broadcast %mul3A_207 : f32 to vector<16xf32>
      %mul3A_209 = arith.mulf %get3A_206, %mul3A_208 : vector<16xf32>
      %swap3A_210 = arith.index_cast %add3A_144 : i32 to index
      %swap3A_211 = arith.constant 80 : index
      %swap3A_212 = tpu.vector_load %arg7[%swap3A_210, %swap3A_211] {strides = array<i32>} : memref<128x128xf32, #tpu.memory_space<vmem>>, vector<1x16xf32>,
      %swap3A_213 = vector.shape_cast %swap3A_212 : vector<1x16xf32> to vector<16xf32>
      %swap3A_214 = vector.shape_cast %mul3A_209 : vector<16xf32> to vector<1x16xf32>
      tpu.vector_store %arg7[%swap3A_210, %swap3A_211], %swap3A_214 {strides = array<i32>} : memref<128x128xf32, #tpu.memory_space<vmem>>, vector<1x16xf32>,
      %get3A_215 = arith.index_cast %add3A_144 : i32 to index
      %get3A_216 = arith.constant 96 : index
      %get3A_217 = tpu.vector_load %arg7[%get3A_215, %get3A_216] {strides = array<i32>} : memref<128x128xf32, #tpu.memory_space<vmem>>, vector<1x16xf32>,
      %get3A_218 = vector.shape_cast %get3A_217 : vector<1x16xf32> to vector<16xf32>
      %mul3A_219 = arith.constant 11.3137083 : f32
      %mul3A_220 = vector.broadcast %mul3A_219 : f32 to vector<16xf32>
      %mul3A_221 = arith.mulf %get3A_218, %mul3A_220 : vector<16xf32>
      %swap3A_222 = arith.index_cast %add3A_144 : i32 to index
      %swap3A_223 = arith.constant 96 : index
      %swap3A_224 = tpu.vector_load %arg7[%swap3A_222, %swap3A_223] {strides = array<i32>} : memref<128x128xf32, #tpu.memory_space<vmem>>, vector<1x16xf32>,
      %swap3A_225 = vector.shape_cast %swap3A_224 : vector<1x16xf32> to vector<16xf32>
      %swap3A_226 = vector.shape_cast %mul3A_221 : vector<16xf32> to vector<1x16xf32>
      tpu.vector_store %arg7[%swap3A_222, %swap3A_223], %swap3A_226 {strides = array<i32>} : memref<128x128xf32, #tpu.memory_space<vmem>>, vector<1x16xf32>,
      %get3A_227 = arith.index_cast %add3A_144 : i32 to index
      %get3A_228 = arith.constant 112 : index
      %get3A_229 = tpu.vector_load %arg7[%get3A_227, %get3A_228] {strides = array<i32>} : memref<128x128xf32, #tpu.memory_space<vmem>>, vector<1x16xf32>,
      %get3A_230 = vector.shape_cast %get3A_229 : vector<1x16xf32> to vector<16xf32>
      %mul3A_231 = arith.constant 11.3137083 : f32
      %mul3A_232 = vector.broadcast %mul3A_231 : f32 to vector<16xf32>
      %mul3A_233 = arith.mulf %get3A_230, %mul3A_232 : vector<16xf32>
      %swap3A_234 = arith.index_cast %add3A_144 : i32 to index
      %swap3A_235 = arith.constant 112 : index
      %swap3A_236 = tpu.vector_load %arg7[%swap3A_234, %swap3A_235] {strides = array<i32>} : memref<128x128xf32, #tpu.memory_space<vmem>>, vector<1x16xf32>,
      %swap3A_237 = vector.shape_cast %swap3A_236 : vector<1x16xf32> to vector<16xf32>
      %swap3A_238 = vector.shape_cast %mul3A_233 : vector<16xf32> to vector<1x16xf32>
      tpu.vector_store %arg7[%swap3A_234, %swap3A_235], %swap3A_238 {strides = array<i32>} : memref<128x128xf32, #tpu.memory_space<vmem>>, vector<1x16xf32>,
    }
    %scan3A_45 = arith.constant 128 : i32
    %add3A_46 = arith.constant 128 : i32
    %add3A_47 = arith.addi %mul3A_2, %add3A_46 : i32
    %dma_start3A_48 = arith.constant 0 : i32
    %dma_start3A_49 = tpu.memref_slice %arg4[%add3A_47, %dma_start3A_48] : memref<819200x128xf32, #tpu.memory_space<hbm>> -> memref<128x128xf32, #tpu.memory_space<hbm>>
    %dma_start3A_50 = arith.constant 0 : i32
    %dma_start3A_51 = tpu.memref_slice %arg4[%add3A_47, %dma_start3A_50] : memref<819200x128xf32, #tpu.memory_space<hbm>> -> memref<128x128xf32, #tpu.memory_space<hbm>>
    tpu.enqueue_dma source(%arg7 : memref<128x128xf32, #tpu.memory_space<vmem>>) target(%dma_start3A_51 : memref<128x128xf32, #tpu.memory_space<hbm>>) target_semaphore(%arg17 : memref<!tpu.dma_semaphore, #tpu.memory_space<semaphore_mem>>)
    %dma_start3A_52 = arith.constant 512 : i32
    %dma_start3A_53 = tpu.memref_slice %arg5[%dma_start3A_52] : memref<25600xi32, #tpu.memory_space<vmem>> -> memref<128xi32, #tpu.memory_space<vmem>>
    %dma_start3A_54 = arith.constant 0 : i32
    %dma_start3A_55 = arith.constant 0 : i32
    %dma_start3A_56 = tpu.memref_slice %arg2[%dma_start3A_54, %dma_start3A_55] : memref<100000x128xf32, #tpu.memory_space<hbm>> -> memref<100000x128xf32, #tpu.memory_space<hbm>>
    tpu.enqueue_indirect_dma source(%dma_start3A_56 : memref<100000x128xf32, #tpu.memory_space<hbm>>) target(%arg10 : memref<128x128xf32, #tpu.memory_space<vmem>>) offsets(%dma_start3A_53 : memref<128xi32, #tpu.memory_space<vmem>>) semaphore(%arg15 : memref<!tpu.dma_semaphore, #tpu.memory_space<semaphore_mem>>)
    %dma_wait3A_57 = arith.constant 256 : i32
    %dma_wait3A_58 = tpu.memref_slice %arg5[%dma_wait3A_57] : memref<25600xi32, #tpu.memory_space<vmem>> -> memref<128xi32, #tpu.memory_space<vmem>>
    %dma_wait3A_59 = arith.constant 0 : i32
    %dma_wait3A_60 = arith.constant 0 : i32
    %dma_wait3A_61 = tpu.memref_slice %arg2[%dma_wait3A_59, %dma_wait3A_60] : memref<100000x128xf32, #tpu.memory_space<hbm>> -> memref<100000x128xf32, #tpu.memory_space<hbm>>
    tpu.wait_indirect_dma semaphore(%arg13 : memref<!tpu.dma_semaphore, #tpu.memory_space<semaphore_mem>>) src(%dma_wait3A_61 : memref<100000x128xf32, #tpu.memory_space<hbm>>) dst(%arg8 : memref<128x128xf32, #tpu.memory_space<vmem>>)
    %scan3A_62 = arith.constant 0 : i32
    %scan3A_63 = arith.constant 128 : i32
    %scan3A_64 = arith.addi %scan3A_62, %scan3A_63 : i32
    %scan3A_65 = arith.constant 1 : i32
    scf.for %scan3A_140 = %scan3A_62 to %scan3A_64 step %scan3A_65  : i32 {
      %mul3A_141 = arith.constant 1 : i32
      %mul3A_142 = arith.muli %scan3A_140, %mul3A_141 : i32
      %add3A_143 = arith.constant 0 : i32
      %add3A_144 = arith.addi %add3A_143, %mul3A_142 : i32
      %get3A = arith.index_cast %add3A_144 : i32 to index
      %get3A_145 = arith.constant 0 : index
      %get3A_146 = tpu.vector_load %arg8[%get3A, %get3A_145] {strides = array<i32>} : memref<128x128xf32, #tpu.memory_space<vmem>>, vector<1x16xf32>,
      %get3A_147 = vector.shape_cast %get3A_146 : vector<1x16xf32> to vector<16xf32>
      %mul3A_148 = arith.constant 11.3137083 : f32
      %mul3A_149 = vector.broadcast %mul3A_148 : f32 to vector<16xf32>
      %mul3A_150 = arith.mulf %get3A_147, %mul3A_149 : vector<16xf32>
      %swap3A = arith.index_cast %add3A_144 : i32 to index
      %swap3A_151 = arith.constant 0 : index
      %swap3A_152 = tpu.vector_load %arg8[%swap3A, %swap3A_151] {strides = array<i32>} : memref<128x128xf32, #tpu.memory_space<vmem>>, vector<1x16xf32>,
      %swap3A_153 = vector.shape_cast %swap3A_152 : vector<1x16xf32> to vector<16xf32>
      %swap3A_154 = vector.shape_cast %mul3A_150 : vector<16xf32> to vector<1x16xf32>
      tpu.vector_store %arg8[%swap3A, %swap3A_151], %swap3A_154 {strides = array<i32>} : memref<128x128xf32, #tpu.memory_space<vmem>>, vector<1x16xf32>,
      %get3A_155 = arith.index_cast %add3A_144 : i32 to index
      %get3A_156 = arith.constant 16 : index
      %get3A_157 = tpu.vector_load %arg8[%get3A_155, %get3A_156] {strides = array<i32>} : memref<128x128xf32, #tpu.memory_space<vmem>>, vector<1x16xf32>,
      %get3A_158 = vector.shape_cast %get3A_157 : vector<1x16xf32> to vector<16xf32>
      %mul3A_159 = arith.constant 11.3137083 : f32
      %mul3A_160 = vector.broadcast %mul3A_159 : f32 to vector<16xf32>
      %mul3A_161 = arith.mulf %get3A_158, %mul3A_160 : vector<16xf32>
      %swap3A_162 = arith.index_cast %add3A_144 : i32 to index
      %swap3A_163 = arith.constant 16 : index
      %swap3A_164 = tpu.vector_load %arg8[%swap3A_162, %swap3A_163] {strides = array<i32>} : memref<128x128xf32, #tpu.memory_space<vmem>>, vector<1x16xf32>,
      %swap3A_165 = vector.shape_cast %swap3A_164 : vector<1x16xf32> to vector<16xf32>
      %swap3A_166 = vector.shape_cast %mul3A_161 : vector<16xf32> to vector<1x16xf32>
      tpu.vector_store %arg8[%swap3A_162, %swap3A_163], %swap3A_166 {strides = array<i32>} : memref<128x128xf32, #tpu.memory_space<vmem>>, vector<1x16xf32>,
      %get3A_167 = arith.index_cast %add3A_144 : i32 to index
      %get3A_168 = arith.constant 32 : index
      %get3A_169 = tpu.vector_load %arg8[%get3A_167, %get3A_168] {strides = array<i32>} : memref<128x128xf32, #tpu.memory_space<vmem>>, vector<1x16xf32>,
      %get3A_170 = vector.shape_cast %get3A_169 : vector<1x16xf32> to vector<16xf32>
      %mul3A_171 = arith.constant 11.3137083 : f32
      %mul3A_172 = vector.broadcast %mul3A_171 : f32 to vector<16xf32>
      %mul3A_173 = arith.mulf %get3A_170, %mul3A_172 : vector<16xf32>
      %swap3A_174 = arith.index_cast %add3A_144 : i32 to index
      %swap3A_175 = arith.constant 32 : index
      %swap3A_176 = tpu.vector_load %arg8[%swap3A_174, %swap3A_175] {strides = array<i32>} : memref<128x128xf32, #tpu.memory_space<vmem>>, vector<1x16xf32>,
      %swap3A_177 = vector.shape_cast %swap3A_176 : vector<1x16xf32> to vector<16xf32>
      %swap3A_178 = vector.shape_cast %mul3A_173 : vector<16xf32> to vector<1x16xf32>
      tpu.vector_store %arg8[%swap3A_174, %swap3A_175], %swap3A_178 {strides = array<i32>} : memref<128x128xf32, #tpu.memory_space<vmem>>, vector<1x16xf32>,
      %get3A_179 = arith.index_cast %add3A_144 : i32 to index
      %get3A_180 = arith.constant 48 : index
      %get3A_181 = tpu.vector_load %arg8[%get3A_179, %get3A_180] {strides = array<i32>} : memref<128x128xf32, #tpu.memory_space<vmem>>, vector<1x16xf32>,
      %get3A_182 = vector.shape_cast %get3A_181 : vector<1x16xf32> to vector<16xf32>
      %mul3A_183 = arith.constant 11.3137083 : f32
      %mul3A_184 = vector.broadcast %mul3A_183 : f32 to vector<16xf32>
      %mul3A_185 = arith.mulf %get3A_182, %mul3A_184 : vector<16xf32>
      %swap3A_186 = arith.index_cast %add3A_144 : i32 to index
      %swap3A_187 = arith.constant 48 : index
      %swap3A_188 = tpu.vector_load %arg8[%swap3A_186, %swap3A_187] {strides = array<i32>} : memref<128x128xf32, #tpu.memory_space<vmem>>, vector<1x16xf32>,
      %swap3A_189 = vector.shape_cast %swap3A_188 : vector<1x16xf32> to vector<16xf32>
      %swap3A_190 = vector.shape_cast %mul3A_185 : vector<16xf32> to vector<1x16xf32>
      tpu.vector_store %arg8[%swap3A_186, %swap3A_187], %swap3A_190 {strides = array<i32>} : memref<128x128xf32, #tpu.memory_space<vmem>>, vector<1x16xf32>,
      %get3A_191 = arith.index_cast %add3A_144 : i32 to index
      %get3A_192 = arith.constant 64 : index
      %get3A_193 = tpu.vector_load %arg8[%get3A_191, %get3A_192] {strides = array<i32>} : memref<128x128xf32, #tpu.memory_space<vmem>>, vector<1x16xf32>,
      %get3A_194 = vector.shape_cast %get3A_193 : vector<1x16xf32> to vector<16xf32>
      %mul3A_195 = arith.constant 11.3137083 : f32
      %mul3A_196 = vector.broadcast %mul3A_195 : f32 to vector<16xf32>
      %mul3A_197 = arith.mulf %get3A_194, %mul3A_196 : vector<16xf32>
      %swap3A_198 = arith.index_cast %add3A_144 : i32 to index
      %swap3A_199 = arith.constant 64 : index
      %swap3A_200 = tpu.vector_load %arg8[%swap3A_198, %swap3A_199] {strides = array<i32>} : memref<128x128xf32, #tpu.memory_space<vmem>>, vector<1x16xf32>,
      %swap3A_201 = vector.shape_cast %swap3A_200 : vector<1x16xf32> to vector<16xf32>
      %swap3A_202 = vector.shape_cast %mul3A_197 : vector<16xf32> to vector<1x16xf32>
      tpu.vector_store %arg8[%swap3A_198, %swap3A_199], %swap3A_202 {strides = array<i32>} : memref<128x128xf32, #tpu.memory_space<vmem>>, vector<1x16xf32>,
      %get3A_203 = arith.index_cast %add3A_144 : i32 to index
      %get3A_204 = arith.constant 80 : index
      %get3A_205 = tpu.vector_load %arg8[%get3A_203, %get3A_204] {strides = array<i32>} : memref<128x128xf32, #tpu.memory_space<vmem>>, vector<1x16xf32>,
      %get3A_206 = vector.shape_cast %get3A_205 : vector<1x16xf32> to vector<16xf32>
      %mul3A_207 = arith.constant 11.3137083 : f32
      %mul3A_208 = vector.broadcast %mul3A_207 : f32 to vector<16xf32>
      %mul3A_209 = arith.mulf %get3A_206, %mul3A_208 : vector<16xf32>
      %swap3A_210 = arith.index_cast %add3A_144 : i32 to index
      %swap3A_211 = arith.constant 80 : index
      %swap3A_212 = tpu.vector_load %arg8[%swap3A_210, %swap3A_211] {strides = array<i32>} : memref<128x128xf32, #tpu.memory_space<vmem>>, vector<1x16xf32>,
      %swap3A_213 = vector.shape_cast %swap3A_212 : vector<1x16xf32> to vector<16xf32>
      %swap3A_214 = vector.shape_cast %mul3A_209 : vector<16xf32> to vector<1x16xf32>
      tpu.vector_store %arg8[%swap3A_210, %swap3A_211], %swap3A_214 {strides = array<i32>} : memref<128x128xf32, #tpu.memory_space<vmem>>, vector<1x16xf32>,
      %get3A_215 = arith.index_cast %add3A_144 : i32 to index
      %get3A_216 = arith.constant 96 : index
      %get3A_217 = tpu.vector_load %arg8[%get3A_215, %get3A_216] {strides = array<i32>} : memref<128x128xf32, #tpu.memory_space<vmem>>, vector<1x16xf32>,
      %get3A_218 = vector.shape_cast %get3A_217 : vector<1x16xf32> to vector<16xf32>
      %mul3A_219 = arith.constant 11.3137083 : f32
      %mul3A_220 = vector.broadcast %mul3A_219 : f32 to vector<16xf32>
      %mul3A_221 = arith.mulf %get3A_218, %mul3A_220 : vector<16xf32>
      %swap3A_222 = arith.index_cast %add3A_144 : i32 to index
      %swap3A_223 = arith.constant 96 : index
      %swap3A_224 = tpu.vector_load %arg8[%swap3A_222, %swap3A_223] {strides = array<i32>} : memref<128x128xf32, #tpu.memory_space<vmem>>, vector<1x16xf32>,
      %swap3A_225 = vector.shape_cast %swap3A_224 : vector<1x16xf32> to vector<16xf32>
      %swap3A_226 = vector.shape_cast %mul3A_221 : vector<16xf32> to vector<1x16xf32>
      tpu.vector_store %arg8[%swap3A_222, %swap3A_223], %swap3A_226 {strides = array<i32>} : memref<128x128xf32, #tpu.memory_space<vmem>>, vector<1x16xf32>,
      %get3A_227 = arith.index_cast %add3A_144 : i32 to index
      %get3A_228 = arith.constant 112 : index
      %get3A_229 = tpu.vector_load %arg8[%get3A_227, %get3A_228] {strides = array<i32>} : memref<128x128xf32, #tpu.memory_space<vmem>>, vector<1x16xf32>,
      %get3A_230 = vector.shape_cast %get3A_229 : vector<1x16xf32> to vector<16xf32>
      %mul3A_231 = arith.constant 11.3137083 : f32
      %mul3A_232 = vector.broadcast %mul3A_231 : f32 to vector<16xf32>
      %mul3A_233 = arith.mulf %get3A_230, %mul3A_232 : vector<16xf32>
      %swap3A_234 = arith.index_cast %add3A_144 : i32 to index
      %swap3A_235 = arith.constant 112 : index
      %swap3A_236 = tpu.vector_load %arg8[%swap3A_234, %swap3A_235] {strides = array<i32>} : memref<128x128xf32, #tpu.memory_space<vmem>>, vector<1x16xf32>,
      %swap3A_237 = vector.shape_cast %swap3A_236 : vector<1x16xf32> to vector<16xf32>
      %swap3A_238 = vector.shape_cast %mul3A_233 : vector<16xf32> to vector<1x16xf32>
      tpu.vector_store %arg8[%swap3A_234, %swap3A_235], %swap3A_238 {strides = array<i32>} : memref<128x128xf32, #tpu.memory_space<vmem>>, vector<1x16xf32>,
    }
    %scan3A_66 = arith.constant 128 : i32
    %add3A_67 = arith.constant 256 : i32
    %add3A_68 = arith.addi %mul3A_2, %add3A_67 : i32
    %dma_start3A_69 = arith.constant 0 : i32
    %dma_start3A_70 = tpu.memref_slice %arg4[%add3A_68, %dma_start3A_69] : memref<819200x128xf32, #tpu.memory_space<hbm>> -> memref<128x128xf32, #tpu.memory_space<hbm>>
    %dma_start3A_71 = arith.constant 0 : i32
    %dma_start3A_72 = tpu.memref_slice %arg4[%add3A_68, %dma_start3A_71] : memref<819200x128xf32, #tpu.memory_space<hbm>> -> memref<128x128xf32, #tpu.memory_space<hbm>>
    tpu.enqueue_dma source(%arg8 : memref<128x128xf32, #tpu.memory_space<vmem>>) target(%dma_start3A_72 : memref<128x128xf32, #tpu.memory_space<hbm>>) target_semaphore(%arg18 : memref<!tpu.dma_semaphore, #tpu.memory_space<semaphore_mem>>)
    %scan3A_73 = arith.constant 0 : i32
    %scan3A_74 = arith.constant 39 : i32
    %scan3A_75 = arith.addi %scan3A_73, %scan3A_74 : i32
    %scan3A_76 = arith.constant 1 : i32
    scf.for %scan3A_140 = %scan3A_73 to %scan3A_75 step %scan3A_76  : i32 {
      %mul3A_141 = arith.constant 5 : i32
      %mul3A_142 = arith.muli %scan3A_140, %mul3A_141 : i32
      %add3A_143 = arith.constant 5 : i32
      %add3A_144 = arith.addi %add3A_143, %mul3A_142 : i32
      %add3A_145 = arith.constant 0 : i32
      %add3A_146 = arith.addi %add3A_144, %add3A_145 : i32
      %sub3A = arith.constant 5 : i32
      %sub3A_147 = arith.subi %add3A_146, %sub3A : i32
      %mul3A_148 = arith.constant 128 : i32
      %mul3A_149 = arith.muli %sub3A_147, %mul3A_148 : i32
      %add3A_150 = arith.addi %mul3A_2, %mul3A_149 : i32
      %dma_wait3A_151 = arith.constant 0 : i32
      %dma_wait3A_152 = tpu.memref_slice %arg4[%add3A_150, %dma_wait3A_151] : memref<819200x128xf32, #tpu.memory_space<hbm>> -> memref<128x128xf32, #tpu.memory_space<hbm>>
      %dma_wait3A_153 = arith.constant 0 : i32
      %dma_wait3A_154 = tpu.memref_slice %arg4[%add3A_150, %dma_wait3A_153] : memref<819200x128xf32, #tpu.memory_space<hbm>> -> memref<128x128xf32, #tpu.memory_space<hbm>>
      tpu.wait_dma2 semaphore(%arg16 : memref<!tpu.dma_semaphore, #tpu.memory_space<semaphore_mem>>) src(%arg6 : memref<128x128xf32, #tpu.memory_space<vmem>>) dst(%dma_wait3A_154 : memref<128x128xf32, #tpu.memory_space<hbm>>)
      %mul3A_155 = arith.constant 128 : i32
      %mul3A_156 = arith.muli %add3A_146, %mul3A_155 : i32
      %dma_start3A_157 = tpu.memref_slice %arg5[%mul3A_156] : memref<25600xi32, #tpu.memory_space<vmem>> -> memref<128xi32, #tpu.memory_space<vmem>>
      %dma_start3A_158 = arith.constant 0 : i32
      %dma_start3A_159 = arith.constant 0 : i32
      %dma_start3A_160 = tpu.memref_slice %arg2[%dma_start3A_158, %dma_start3A_159] : memref<100000x128xf32, #tpu.memory_space<hbm>> -> memref<100000x128xf32, #tpu.memory_space<hbm>>
      tpu.enqueue_indirect_dma source(%dma_start3A_160 : memref<100000x128xf32, #tpu.memory_space<hbm>>) target(%arg6 : memref<128x128xf32, #tpu.memory_space<vmem>>) offsets(%dma_start3A_157 : memref<128xi32, #tpu.memory_space<vmem>>) semaphore(%arg11 : memref<!tpu.dma_semaphore, #tpu.memory_space<semaphore_mem>>)
      %sub3A_161 = arith.constant 2 : i32
      %sub3A_162 = arith.subi %add3A_146, %sub3A_161 : i32
      %mul3A_163 = arith.constant 128 : i32
      %mul3A_164 = arith.muli %sub3A_162, %mul3A_163 : i32
      %dma_wait3A_165 = tpu.memref_slice %arg5[%mul3A_164] : memref<25600xi32, #tpu.memory_space<vmem>> -> memref<128xi32, #tpu.memory_space<vmem>>
      %dma_wait3A_166 = arith.constant 0 : i32
      %dma_wait3A_167 = arith.constant 0 : i32
      %dma_wait3A_168 = tpu.memref_slice %arg2[%dma_wait3A_166, %dma_wait3A_167] : memref<100000x128xf32, #tpu.memory_space<hbm>> -> memref<100000x128xf32, #tpu.memory_space<hbm>>
      tpu.wait_indirect_dma semaphore(%arg14 : memref<!tpu.dma_semaphore, #tpu.memory_space<semaphore_mem>>) src(%dma_wait3A_168 : memref<100000x128xf32, #tpu.memory_space<hbm>>) dst(%arg9 : memref<128x128xf32, #tpu.memory_space<vmem>>)
      %scan3A_169 = arith.constant 0 : i32
      %scan3A_170 = arith.constant 128 : i32
      %scan3A_171 = arith.addi %scan3A_169, %scan3A_170 : i32
      %scan3A_172 = arith.constant 1 : i32
      scf.for %scan3A_339 = %scan3A_169 to %scan3A_171 step %scan3A_172  : i32 {
        %mul3A_340 = arith.constant 1 : i32
        %mul3A_341 = arith.muli %scan3A_339, %mul3A_340 : i32
        %add3A_342 = arith.constant 0 : i32
        %add3A_343 = arith.addi %add3A_342, %mul3A_341 : i32
        %get3A = arith.index_cast %add3A_343 : i32 to index
        %get3A_344 = arith.constant 0 : index
        %get3A_345 = tpu.vector_load %arg9[%get3A, %get3A_344] {strides = array<i32>} : memref<128x128xf32, #tpu.memory_space<vmem>>, vector<1x16xf32>,
        %get3A_346 = vector.shape_cast %get3A_345 : vector<1x16xf32> to vector<16xf32>
        %mul3A_347 = arith.constant 11.3137083 : f32
        %mul3A_348 = vector.broadcast %mul3A_347 : f32 to vector<16xf32>
        %mul3A_349 = arith.mulf %get3A_346, %mul3A_348 : vector<16xf32>
        %swap3A = arith.index_cast %add3A_343 : i32 to index
        %swap3A_350 = arith.constant 0 : index
        %swap3A_351 = tpu.vector_load %arg9[%swap3A, %swap3A_350] {strides = array<i32>} : memref<128x128xf32, #tpu.memory_space<vmem>>, vector<1x16xf32>,
        %swap3A_352 = vector.shape_cast %swap3A_351 : vector<1x16xf32> to vector<16xf32>
        %swap3A_353 = vector.shape_cast %mul3A_349 : vector<16xf32> to vector<1x16xf32>
        tpu.vector_store %arg9[%swap3A, %swap3A_350], %swap3A_353 {strides = array<i32>} : memref<128x128xf32, #tpu.memory_space<vmem>>, vector<1x16xf32>,
        %get3A_354 = arith.index_cast %add3A_343 : i32 to index
        %get3A_355 = arith.constant 16 : index
        %get3A_356 = tpu.vector_load %arg9[%get3A_354, %get3A_355] {strides = array<i32>} : memref<128x128xf32, #tpu.memory_space<vmem>>, vector<1x16xf32>,
        %get3A_357 = vector.shape_cast %get3A_356 : vector<1x16xf32> to vector<16xf32>
        %mul3A_358 = arith.constant 11.3137083 : f32
        %mul3A_359 = vector.broadcast %mul3A_358 : f32 to vector<16xf32>
        %mul3A_360 = arith.mulf %get3A_357, %mul3A_359 : vector<16xf32>
        %swap3A_361 = arith.index_cast %add3A_343 : i32 to index
        %swap3A_362 = arith.constant 16 : index
        %swap3A_363 = tpu.vector_load %arg9[%swap3A_361, %swap3A_362] {strides = array<i32>} : memref<128x128xf32, #tpu.memory_space<vmem>>, vector<1x16xf32>,
        %swap3A_364 = vector.shape_cast %swap3A_363 : vector<1x16xf32> to vector<16xf32>
        %swap3A_365 = vector.shape_cast %mul3A_360 : vector<16xf32> to vector<1x16xf32>
        tpu.vector_store %arg9[%swap3A_361, %swap3A_362], %swap3A_365 {strides = array<i32>} : memref<128x128xf32, #tpu.memory_space<vmem>>, vector<1x16xf32>,
        %get3A_366 = arith.index_cast %add3A_343 : i32 to index
        %get3A_367 = arith.constant 32 : index
        %get3A_368 = tpu.vector_load %arg9[%get3A_366, %get3A_367] {strides = array<i32>} : memref<128x128xf32, #tpu.memory_space<vmem>>, vector<1x16xf32>,
        %get3A_369 = vector.shape_cast %get3A_368 : vector<1x16xf32> to vector<16xf32>
        %mul3A_370 = arith.constant 11.3137083 : f32
        %mul3A_371 = vector.broadcast %mul3A_370 : f32 to vector<16xf32>
        %mul3A_372 = arith.mulf %get3A_369, %mul3A_371 : vector<16xf32>
        %swap3A_373 = arith.index_cast %add3A_343 : i32 to index
        %swap3A_374 = arith.constant 32 : index
        %swap3A_375 = tpu.vector_load %arg9[%swap3A_373, %swap3A_374] {strides = array<i32>} : memref<128x128xf32, #tpu.memory_space<vmem>>, vector<1x16xf32>,
        %swap3A_376 = vector.shape_cast %swap3A_375 : vector<1x16xf32> to vector<16xf32>
        %swap3A_377 = vector.shape_cast %mul3A_372 : vector<16xf32> to vector<1x16xf32>
        tpu.vector_store %arg9[%swap3A_373, %swap3A_374], %swap3A_377 {strides = array<i32>} : memref<128x128xf32, #tpu.memory_space<vmem>>, vector<1x16xf32>,
        %get3A_378 = arith.index_cast %add3A_343 : i32 to index
        %get3A_379 = arith.constant 48 : index
        %get3A_380 = tpu.vector_load %arg9[%get3A_378, %get3A_379] {strides = array<i32>} : memref<128x128xf32, #tpu.memory_space<vmem>>, vector<1x16xf32>,
        %get3A_381 = vector.shape_cast %get3A_380 : vector<1x16xf32> to vector<16xf32>
        %mul3A_382 = arith.constant 11.3137083 : f32
        %mul3A_383 = vector.broadcast %mul3A_382 : f32 to vector<16xf32>
        %mul3A_384 = arith.mulf %get3A_381, %mul3A_383 : vector<16xf32>
        %swap3A_385 = arith.index_cast %add3A_343 : i32 to index
        %swap3A_386 = arith.constant 48 : index
        %swap3A_387 = tpu.vector_load %arg9[%swap3A_385, %swap3A_386] {strides = array<i32>} : memref<128x128xf32, #tpu.memory_space<vmem>>, vector<1x16xf32>,
        %swap3A_388 = vector.shape_cast %swap3A_387 : vector<1x16xf32> to vector<16xf32>
        %swap3A_389 = vector.shape_cast %mul3A_384 : vector<16xf32> to vector<1x16xf32>
        tpu.vector_store %arg9[%swap3A_385, %swap3A_386], %swap3A_389 {strides = array<i32>} : memref<128x128xf32, #tpu.memory_space<vmem>>, vector<1x16xf32>,
        %get3A_390 = arith.index_cast %add3A_343 : i32 to index
        %get3A_391 = arith.constant 64 : index
        %get3A_392 = tpu.vector_load %arg9[%get3A_390, %get3A_391] {strides = array<i32>} : memref<128x128xf32, #tpu.memory_space<vmem>>, vector<1x16xf32>,
        %get3A_393 = vector.shape_cast %get3A_392 : vector<1x16xf32> to vector<16xf32>
        %mul3A_394 = arith.constant 11.3137083 : f32
        %mul3A_395 = vector.broadcast %mul3A_394 : f32 to vector<16xf32>
        %mul3A_396 = arith.mulf %get3A_393, %mul3A_395 : vector<16xf32>
        %swap3A_397 = arith.index_cast %add3A_343 : i32 to index
        %swap3A_398 = arith.constant 64 : index
        %swap3A_399 = tpu.vector_load %arg9[%swap3A_397, %swap3A_398] {strides = array<i32>} : memref<128x128xf32, #tpu.memory_space<vmem>>, vector<1x16xf32>,
        %swap3A_400 = vector.shape_cast %swap3A_399 : vector<1x16xf32> to vector<16xf32>
        %swap3A_401 = vector.shape_cast %mul3A_396 : vector<16xf32> to vector<1x16xf32>
        tpu.vector_store %arg9[%swap3A_397, %swap3A_398], %swap3A_401 {strides = array<i32>} : memref<128x128xf32, #tpu.memory_space<vmem>>, vector<1x16xf32>,
        %get3A_402 = arith.index_cast %add3A_343 : i32 to index
        %get3A_403 = arith.constant 80 : index
        %get3A_404 = tpu.vector_load %arg9[%get3A_402, %get3A_403] {strides = array<i32>} : memref<128x128xf32, #tpu.memory_space<vmem>>, vector<1x16xf32>,
        %get3A_405 = vector.shape_cast %get3A_404 : vector<1x16xf32> to vector<16xf32>
        %mul3A_406 = arith.constant 11.3137083 : f32
        %mul3A_407 = vector.broadcast %mul3A_406 : f32 to vector<16xf32>
        %mul3A_408 = arith.mulf %get3A_405, %mul3A_407 : vector<16xf32>
        %swap3A_409 = arith.index_cast %add3A_343 : i32 to index
        %swap3A_410 = arith.constant 80 : index
        %swap3A_411 = tpu.vector_load %arg9[%swap3A_409, %swap3A_410] {strides = array<i32>} : memref<128x128xf32, #tpu.memory_space<vmem>>, vector<1x16xf32>,
        %swap3A_412 = vector.shape_cast %swap3A_411 : vector<1x16xf32> to vector<16xf32>
        %swap3A_413 = vector.shape_cast %mul3A_408 : vector<16xf32> to vector<1x16xf32>
        tpu.vector_store %arg9[%swap3A_409, %swap3A_410], %swap3A_413 {strides = array<i32>} : memref<128x128xf32, #tpu.memory_space<vmem>>, vector<1x16xf32>,
        %get3A_414 = arith.index_cast %add3A_343 : i32 to index
        %get3A_415 = arith.constant 96 : index
        %get3A_416 = tpu.vector_load %arg9[%get3A_414, %get3A_415] {strides = array<i32>} : memref<128x128xf32, #tpu.memory_space<vmem>>, vector<1x16xf32>,
        %get3A_417 = vector.shape_cast %get3A_416 : vector<1x16xf32> to vector<16xf32>
        %mul3A_418 = arith.constant 11.3137083 : f32
        %mul3A_419 = vector.broadcast %mul3A_418 : f32 to vector<16xf32>
        %mul3A_420 = arith.mulf %get3A_417, %mul3A_419 : vector<16xf32>
        %swap3A_421 = arith.index_cast %add3A_343 : i32 to index
        %swap3A_422 = arith.constant 96 : index
        %swap3A_423 = tpu.vector_load %arg9[%swap3A_421, %swap3A_422] {strides = array<i32>} : memref<128x128xf32, #tpu.memory_space<vmem>>, vector<1x16xf32>,
        %swap3A_424 = vector.shape_cast %swap3A_423 : vector<1x16xf32> to vector<16xf32>
        %swap3A_425 = vector.shape_cast %mul3A_420 : vector<16xf32> to vector<1x16xf32>
        tpu.vector_store %arg9[%swap3A_421, %swap3A_422], %swap3A_425 {strides = array<i32>} : memref<128x128xf32, #tpu.memory_space<vmem>>, vector<1x16xf32>,
        %get3A_426 = arith.index_cast %add3A_343 : i32 to index
        %get3A_427 = arith.constant 112 : index
        %get3A_428 = tpu.vector_load %arg9[%get3A_426, %get3A_427] {strides = array<i32>} : memref<128x128xf32, #tpu.memory_space<vmem>>, vector<1x16xf32>,
        %get3A_429 = vector.shape_cast %get3A_428 : vector<1x16xf32> to vector<16xf32>
        %mul3A_430 = arith.constant 11.3137083 : f32
        %mul3A_431 = vector.broadcast %mul3A_430 : f32 to vector<16xf32>
        %mul3A_432 = arith.mulf %get3A_429, %mul3A_431 : vector<16xf32>
        %swap3A_433 = arith.index_cast %add3A_343 : i32 to index
        %swap3A_434 = arith.constant 112 : index
        %swap3A_435 = tpu.vector_load %arg9[%swap3A_433, %swap3A_434] {strides = array<i32>} : memref<128x128xf32, #tpu.memory_space<vmem>>, vector<1x16xf32>,
        %swap3A_436 = vector.shape_cast %swap3A_435 : vector<1x16xf32> to vector<16xf32>
        %swap3A_437 = vector.shape_cast %mul3A_432 : vector<16xf32> to vector<1x16xf32>
        tpu.vector_store %arg9[%swap3A_433, %swap3A_434], %swap3A_437 {strides = array<i32>} : memref<128x128xf32, #tpu.memory_space<vmem>>, vector<1x16xf32>,
      }
      %scan3A_173 = arith.constant 128 : i32
      %sub3A_174 = arith.constant 2 : i32
      %sub3A_175 = arith.subi %add3A_146, %sub3A_174 : i32
      %mul3A_176 = arith.constant 128 : i32
      %mul3A_177 = arith.muli %sub3A_175, %mul3A_176 : i32
      %add3A_178 = arith.addi %mul3A_2, %mul3A_177 : i32
      %dma_start3A_179 = arith.constant 0 : i32
      %dma_start3A_180 = tpu.memref_slice %arg4[%add3A_178, %dma_start3A_179] : memref<819200x128xf32, #tpu.memory_space<hbm>> -> memref<128x128xf32, #tpu.memory_space<hbm>>
      %dma_start3A_181 = arith.constant 0 : i32
      %dma_start3A_182 = tpu.memref_slice %arg4[%add3A_178, %dma_start3A_181] : memref<819200x128xf32, #tpu.memory_space<hbm>> -> memref<128x128xf32, #tpu.memory_space<hbm>>
      tpu.enqueue_dma source(%arg9 : memref<128x128xf32, #tpu.memory_space<vmem>>) target(%dma_start3A_182 : memref<128x128xf32, #tpu.memory_space<hbm>>) target_semaphore(%arg19 : memref<!tpu.dma_semaphore, #tpu.memory_space<semaphore_mem>>)
      %add3A_183 = arith.constant 1 : i32
      %add3A_184 = arith.addi %add3A_144, %add3A_183 : i32
      %sub3A_185 = arith.constant 5 : i32
      %sub3A_186 = arith.subi %add3A_184, %sub3A_185 : i32
      %mul3A_187 = arith.constant 128 : i32
      %mul3A_188 = arith.muli %sub3A_186, %mul3A_187 : i32
      %add3A_189 = arith.addi %mul3A_2, %mul3A_188 : i32
      %dma_wait3A_190 = arith.constant 0 : i32
      %dma_wait3A_191 = tpu.memref_slice %arg4[%add3A_189, %dma_wait3A_190] : memref<819200x128xf32, #tpu.memory_space<hbm>> -> memref<128x128xf32, #tpu.memory_space<hbm>>
      %dma_wait3A_192 = arith.constant 0 : i32
      %dma_wait3A_193 = tpu.memref_slice %arg4[%add3A_189, %dma_wait3A_192] : memref<819200x128xf32, #tpu.memory_space<hbm>> -> memref<128x128xf32, #tpu.memory_space<hbm>>
      tpu.wait_dma2 semaphore(%arg17 : memref<!tpu.dma_semaphore, #tpu.memory_space<semaphore_mem>>) src(%arg7 : memref<128x128xf32, #tpu.memory_space<vmem>>) dst(%dma_wait3A_193 : memref<128x128xf32, #tpu.memory_space<hbm>>)
      %mul3A_194 = arith.constant 128 : i32
      %mul3A_195 = arith.muli %add3A_184, %mul3A_194 : i32
      %dma_start3A_196 = tpu.memref_slice %arg5[%mul3A_195] : memref<25600xi32, #tpu.memory_space<vmem>> -> memref<128xi32, #tpu.memory_space<vmem>>
      %dma_start3A_197 = arith.constant 0 : i32
      %dma_start3A_198 = arith.constant 0 : i32
      %dma_start3A_199 = tpu.memref_slice %arg2[%dma_start3A_197, %dma_start3A_198] : memref<100000x128xf32, #tpu.memory_space<hbm>> -> memref<100000x128xf32, #tpu.memory_space<hbm>>
      tpu.enqueue_indirect_dma source(%dma_start3A_199 : memref<100000x128xf32, #tpu.memory_space<hbm>>) target(%arg7 : memref<128x128xf32, #tpu.memory_space<vmem>>) offsets(%dma_start3A_196 : memref<128xi32, #tpu.memory_space<vmem>>) semaphore(%arg12 : memref<!tpu.dma_semaphore, #tpu.memory_space<semaphore_mem>>)
      %sub3A_200 = arith.constant 2 : i32
      %sub3A_201 = arith.subi %add3A_184, %sub3A_200 : i32
      %mul3A_202 = arith.constant 128 : i32
      %mul3A_203 = arith.muli %sub3A_201, %mul3A_202 : i32
      %dma_wait3A_204 = tpu.memref_slice %arg5[%mul3A_203] : memref<25600xi32, #tpu.memory_space<vmem>> -> memref<128xi32, #tpu.memory_space<vmem>>
      %dma_wait3A_205 = arith.constant 0 : i32
      %dma_wait3A_206 = arith.constant 0 : i32
      %dma_wait3A_207 = tpu.memref_slice %arg2[%dma_wait3A_205, %dma_wait3A_206] : memref<100000x128xf32, #tpu.memory_space<hbm>> -> memref<100000x128xf32, #tpu.memory_space<hbm>>
      tpu.wait_indirect_dma semaphore(%arg15 : memref<!tpu.dma_semaphore, #tpu.memory_space<semaphore_mem>>) src(%dma_wait3A_207 : memref<100000x128xf32, #tpu.memory_space<hbm>>) dst(%arg10 : memref<128x128xf32, #tpu.memory_space<vmem>>)
      %scan3A_208 = arith.constant 0 : i32
      %scan3A_209 = arith.constant 128 : i32
      %scan3A_210 = arith.addi %scan3A_208, %scan3A_209 : i32
      %scan3A_211 = arith.constant 1 : i32
      scf.for %scan3A_339 = %scan3A_208 to %scan3A_210 step %scan3A_211  : i32 {
        %mul3A_340 = arith.constant 1 : i32
        %mul3A_341 = arith.muli %scan3A_339, %mul3A_340 : i32
        %add3A_342 = arith.constant 0 : i32
        %add3A_343 = arith.addi %add3A_342, %mul3A_341 : i32
        %get3A = arith.index_cast %add3A_343 : i32 to index
        %get3A_344 = arith.constant 0 : index
        %get3A_345 = tpu.vector_load %arg10[%get3A, %get3A_344] {strides = array<i32>} : memref<128x128xf32, #tpu.memory_space<vmem>>, vector<1x16xf32>,
        %get3A_346 = vector.shape_cast %get3A_345 : vector<1x16xf32> to vector<16xf32>
        %mul3A_347 = arith.constant 11.3137083 : f32
        %mul3A_348 = vector.broadcast %mul3A_347 : f32 to vector<16xf32>
        %mul3A_349 = arith.mulf %get3A_346, %mul3A_348 : vector<16xf32>
        %swap3A = arith.index_cast %add3A_343 : i32 to index
        %swap3A_350 = arith.constant 0 : index
        %swap3A_351 = tpu.vector_load %arg10[%swap3A, %swap3A_350] {strides = array<i32>} : memref<128x128xf32, #tpu.memory_space<vmem>>, vector<1x16xf32>,
        %swap3A_352 = vector.shape_cast %swap3A_351 : vector<1x16xf32> to vector<16xf32>
        %swap3A_353 = vector.shape_cast %mul3A_349 : vector<16xf32> to vector<1x16xf32>
        tpu.vector_store %arg10[%swap3A, %swap3A_350], %swap3A_353 {strides = array<i32>} : memref<128x128xf32, #tpu.memory_space<vmem>>, vector<1x16xf32>,
        %get3A_354 = arith.index_cast %add3A_343 : i32 to index
        %get3A_355 = arith.constant 16 : index
        %get3A_356 = tpu.vector_load %arg10[%get3A_354, %get3A_355] {strides = array<i32>} : memref<128x128xf32, #tpu.memory_space<vmem>>, vector<1x16xf32>,
        %get3A_357 = vector.shape_cast %get3A_356 : vector<1x16xf32> to vector<16xf32>
        %mul3A_358 = arith.constant 11.3137083 : f32
        %mul3A_359 = vector.broadcast %mul3A_358 : f32 to vector<16xf32>
        %mul3A_360 = arith.mulf %get3A_357, %mul3A_359 : vector<16xf32>
        %swap3A_361 = arith.index_cast %add3A_343 : i32 to index
        %swap3A_362 = arith.constant 16 : index
        %swap3A_363 = tpu.vector_load %arg10[%swap3A_361, %swap3A_362] {strides = array<i32>} : memref<128x128xf32, #tpu.memory_space<vmem>>, vector<1x16xf32>,
        %swap3A_364 = vector.shape_cast %swap3A_363 : vector<1x16xf32> to vector<16xf32>
        %swap3A_365 = vector.shape_cast %mul3A_360 : vector<16xf32> to vector<1x16xf32>
        tpu.vector_store %arg10[%swap3A_361, %swap3A_362], %swap3A_365 {strides = array<i32>} : memref<128x128xf32, #tpu.memory_space<vmem>>, vector<1x16xf32>,
        %get3A_366 = arith.index_cast %add3A_343 : i32 to index
        %get3A_367 = arith.constant 32 : index
        %get3A_368 = tpu.vector_load %arg10[%get3A_366, %get3A_367] {strides = array<i32>} : memref<128x128xf32, #tpu.memory_space<vmem>>, vector<1x16xf32>,
        %get3A_369 = vector.shape_cast %get3A_368 : vector<1x16xf32> to vector<16xf32>
        %mul3A_370 = arith.constant 11.3137083 : f32
        %mul3A_371 = vector.broadcast %mul3A_370 : f32 to vector<16xf32>
        %mul3A_372 = arith.mulf %get3A_369, %mul3A_371 : vector<16xf32>
        %swap3A_373 = arith.index_cast %add3A_343 : i32 to index
        %swap3A_374 = arith.constant 32 : index
        %swap3A_375 = tpu.vector_load %arg10[%swap3A_373, %swap3A_374] {strides = array<i32>} : memref<128x128xf32, #tpu.memory_space<vmem>>, vector<1x16xf32>,
        %swap3A_376 = vector.shape_cast %swap3A_375 : vector<1x16xf32> to vector<16xf32>
        %swap3A_377 = vector.shape_cast %mul3A_372 : vector<16xf32> to vector<1x16xf32>
        tpu.vector_store %arg10[%swap3A_373, %swap3A_374], %swap3A_377 {strides = array<i32>} : memref<128x128xf32, #tpu.memory_space<vmem>>, vector<1x16xf32>,
        %get3A_378 = arith.index_cast %add3A_343 : i32 to index
        %get3A_379 = arith.constant 48 : index
        %get3A_380 = tpu.vector_load %arg10[%get3A_378, %get3A_379] {strides = array<i32>} : memref<128x128xf32, #tpu.memory_space<vmem>>, vector<1x16xf32>,
        %get3A_381 = vector.shape_cast %get3A_380 : vector<1x16xf32> to vector<16xf32>
        %mul3A_382 = arith.constant 11.3137083 : f32
        %mul3A_383 = vector.broadcast %mul3A_382 : f32 to vector<16xf32>
        %mul3A_384 = arith.mulf %get3A_381, %mul3A_383 : vector<16xf32>
        %swap3A_385 = arith.index_cast %add3A_343 : i32 to index
        %swap3A_386 = arith.constant 48 : index
        %swap3A_387 = tpu.vector_load %arg10[%swap3A_385, %swap3A_386] {strides = array<i32>} : memref<128x128xf32, #tpu.memory_space<vmem>>, vector<1x16xf32>,
        %swap3A_388 = vector.shape_cast %swap3A_387 : vector<1x16xf32> to vector<16xf32>
        %swap3A_389 = vector.shape_cast %mul3A_384 : vector<16xf32> to vector<1x16xf32>
        tpu.vector_store %arg10[%swap3A_385, %swap3A_386], %swap3A_389 {strides = array<i32>} : memref<128x128xf32, #tpu.memory_space<vmem>>, vector<1x16xf32>,
        %get3A_390 = arith.index_cast %add3A_343 : i32 to index
        %get3A_391 = arith.constant 64 : index
        %get3A_392 = tpu.vector_load %arg10[%get3A_390, %get3A_391] {strides = array<i32>} : memref<128x128xf32, #tpu.memory_space<vmem>>, vector<1x16xf32>,
        %get3A_393 = vector.shape_cast %get3A_392 : vector<1x16xf32> to vector<16xf32>
        %mul3A_394 = arith.constant 11.3137083 : f32
        %mul3A_395 = vector.broadcast %mul3A_394 : f32 to vector<16xf32>
        %mul3A_396 = arith.mulf %get3A_393, %mul3A_395 : vector<16xf32>
        %swap3A_397 = arith.index_cast %add3A_343 : i32 to index
        %swap3A_398 = arith.constant 64 : index
        %swap3A_399 = tpu.vector_load %arg10[%swap3A_397, %swap3A_398] {strides = array<i32>} : memref<128x128xf32, #tpu.memory_space<vmem>>, vector<1x16xf32>,
        %swap3A_400 = vector.shape_cast %swap3A_399 : vector<1x16xf32> to vector<16xf32>
        %swap3A_401 = vector.shape_cast %mul3A_396 : vector<16xf32> to vector<1x16xf32>
        tpu.vector_store %arg10[%swap3A_397, %swap3A_398], %swap3A_401 {strides = array<i32>} : memref<128x128xf32, #tpu.memory_space<vmem>>, vector<1x16xf32>,
        %get3A_402 = arith.index_cast %add3A_343 : i32 to index
        %get3A_403 = arith.constant 80 : index
        %get3A_404 = tpu.vector_load %arg10[%get3A_402, %get3A_403] {strides = array<i32>} : memref<128x128xf32, #tpu.memory_space<vmem>>, vector<1x16xf32>,
        %get3A_405 = vector.shape_cast %get3A_404 : vector<1x16xf32> to vector<16xf32>
        %mul3A_406 = arith.constant 11.3137083 : f32
        %mul3A_407 = vector.broadcast %mul3A_406 : f32 to vector<16xf32>
        %mul3A_408 = arith.mulf %get3A_405, %mul3A_407 : vector<16xf32>
        %swap3A_409 = arith.index_cast %add3A_343 : i32 to index
        %swap3A_410 = arith.constant 80 : index
        %swap3A_411 = tpu.vector_load %arg10[%swap3A_409, %swap3A_410] {strides = array<i32>} : memref<128x128xf32, #tpu.memory_space<vmem>>, vector<1x16xf32>,
        %swap3A_412 = vector.shape_cast %swap3A_411 : vector<1x16xf32> to vector<16xf32>
        %swap3A_413 = vector.shape_cast %mul3A_408 : vector<16xf32> to vector<1x16xf32>
        tpu.vector_store %arg10[%swap3A_409, %swap3A_410], %swap3A_413 {strides = array<i32>} : memref<128x128xf32, #tpu.memory_space<vmem>>, vector<1x16xf32>,
        %get3A_414 = arith.index_cast %add3A_343 : i32 to index
        %get3A_415 = arith.constant 96 : index
        %get3A_416 = tpu.vector_load %arg10[%get3A_414, %get3A_415] {strides = array<i32>} : memref<128x128xf32, #tpu.memory_space<vmem>>, vector<1x16xf32>,
        %get3A_417 = vector.shape_cast %get3A_416 : vector<1x16xf32> to vector<16xf32>
        %mul3A_418 = arith.constant 11.3137083 : f32
        %mul3A_419 = vector.broadcast %mul3A_418 : f32 to vector<16xf32>
        %mul3A_420 = arith.mulf %get3A_417, %mul3A_419 : vector<16xf32>
        %swap3A_421 = arith.index_cast %add3A_343 : i32 to index
        %swap3A_422 = arith.constant 96 : index
        %swap3A_423 = tpu.vector_load %arg10[%swap3A_421, %swap3A_422] {strides = array<i32>} : memref<128x128xf32, #tpu.memory_space<vmem>>, vector<1x16xf32>,
        %swap3A_424 = vector.shape_cast %swap3A_423 : vector<1x16xf32> to vector<16xf32>
        %swap3A_425 = vector.shape_cast %mul3A_420 : vector<16xf32> to vector<1x16xf32>
        tpu.vector_store %arg10[%swap3A_421, %swap3A_422], %swap3A_425 {strides = array<i32>} : memref<128x128xf32, #tpu.memory_space<vmem>>, vector<1x16xf32>,
        %get3A_426 = arith.index_cast %add3A_343 : i32 to index
        %get3A_427 = arith.constant 112 : index
        %get3A_428 = tpu.vector_load %arg10[%get3A_426, %get3A_427] {strides = array<i32>} : memref<128x128xf32, #tpu.memory_space<vmem>>, vector<1x16xf32>,
        %get3A_429 = vector.shape_cast %get3A_428 : vector<1x16xf32> to vector<16xf32>
        %mul3A_430 = arith.constant 11.3137083 : f32
        %mul3A_431 = vector.broadcast %mul3A_430 : f32 to vector<16xf32>
        %mul3A_432 = arith.mulf %get3A_429, %mul3A_431 : vector<16xf32>
        %swap3A_433 = arith.index_cast %add3A_343 : i32 to index
        %swap3A_434 = arith.constant 112 : index
        %swap3A_435 = tpu.vector_load %arg10[%swap3A_433, %swap3A_434] {strides = array<i32>} : memref<128x128xf32, #tpu.memory_space<vmem>>, vector<1x16xf32>,
        %swap3A_436 = vector.shape_cast %swap3A_435 : vector<1x16xf32> to vector<16xf32>
        %swap3A_437 = vector.shape_cast %mul3A_432 : vector<16xf32> to vector<1x16xf32>
        tpu.vector_store %arg10[%swap3A_433, %swap3A_434], %swap3A_437 {strides = array<i32>} : memref<128x128xf32, #tpu.memory_space<vmem>>, vector<1x16xf32>,
      }
      %scan3A_212 = arith.constant 128 : i32
      %sub3A_213 = arith.constant 2 : i32
      %sub3A_214 = arith.subi %add3A_184, %sub3A_213 : i32
      %mul3A_215 = arith.constant 128 : i32
      %mul3A_216 = arith.muli %sub3A_214, %mul3A_215 : i32
      %add3A_217 = arith.addi %mul3A_2, %mul3A_216 : i32
      %dma_start3A_218 = arith.constant 0 : i32
      %dma_start3A_219 = tpu.memref_slice %arg4[%add3A_217, %dma_start3A_218] : memref<819200x128xf32, #tpu.memory_space<hbm>> -> memref<128x128xf32, #tpu.memory_space<hbm>>
      %dma_start3A_220 = arith.constant 0 : i32
      %dma_start3A_221 = tpu.memref_slice %arg4[%add3A_217, %dma_start3A_220] : memref<819200x128xf32, #tpu.memory_space<hbm>> -> memref<128x128xf32, #tpu.memory_space<hbm>>
      tpu.enqueue_dma source(%arg10 : memref<128x128xf32, #tpu.memory_space<vmem>>) target(%dma_start3A_221 : memref<128x128xf32, #tpu.memory_space<hbm>>) target_semaphore(%arg20 : memref<!tpu.dma_semaphore, #tpu.memory_space<semaphore_mem>>)
      %add3A_222 = arith.constant 2 : i32
      %add3A_223 = arith.addi %add3A_144, %add3A_222 : i32
      %sub3A_224 = arith.constant 5 : i32
      %sub3A_225 = arith.subi %add3A_223, %sub3A_224 : i32
      %mul3A_226 = arith.constant 128 : i32
      %mul3A_227 = arith.muli %sub3A_225, %mul3A_226 : i32
      %add3A_228 = arith.addi %mul3A_2, %mul3A_227 : i32
      %dma_wait3A_229 = arith.constant 0 : i32
      %dma_wait3A_230 = tpu.memref_slice %arg4[%add3A_228, %dma_wait3A_229] : memref<819200x128xf32, #tpu.memory_space<hbm>> -> memref<128x128xf32, #tpu.memory_space<hbm>>
      %dma_wait3A_231 = arith.constant 0 : i32
      %dma_wait3A_232 = tpu.memref_slice %arg4[%add3A_228, %dma_wait3A_231] : memref<819200x128xf32, #tpu.memory_space<hbm>> -> memref<128x128xf32, #tpu.memory_space<hbm>>
      tpu.wait_dma2 semaphore(%arg18 : memref<!tpu.dma_semaphore, #tpu.memory_space<semaphore_mem>>) src(%arg8 : memref<128x128xf32, #tpu.memory_space<vmem>>) dst(%dma_wait3A_232 : memref<128x128xf32, #tpu.memory_space<hbm>>)
      %mul3A_233 = arith.constant 128 : i32
      %mul3A_234 = arith.muli %add3A_223, %mul3A_233 : i32
      %dma_start3A_235 = tpu.memref_slice %arg5[%mul3A_234] : memref<25600xi32, #tpu.memory_space<vmem>> -> memref<128xi32, #tpu.memory_space<vmem>>
      %dma_start3A_236 = arith.constant 0 : i32
      %dma_start3A_237 = arith.constant 0 : i32
      %dma_start3A_238 = tpu.memref_slice %arg2[%dma_start3A_236, %dma_start3A_237] : memref<100000x128xf32, #tpu.memory_space<hbm>> -> memref<100000x128xf32, #tpu.memory_space<hbm>>
      tpu.enqueue_indirect_dma source(%dma_start3A_238 : memref<100000x128xf32, #tpu.memory_space<hbm>>) target(%arg8 : memref<128x128xf32, #tpu.memory_space<vmem>>) offsets(%dma_start3A_235 : memref<128xi32, #tpu.memory_space<vmem>>) semaphore(%arg13 : memref<!tpu.dma_semaphore, #tpu.memory_space<semaphore_mem>>)
      %sub3A_239 = arith.constant 2 : i32
      %sub3A_240 = arith.subi %add3A_223, %sub3A_239 : i32
      %mul3A_241 = arith.constant 128 : i32
      %mul3A_242 = arith.muli %sub3A_240, %mul3A_241 : i32
      %dma_wait3A_243 = tpu.memref_slice %arg5[%mul3A_242] : memref<25600xi32, #tpu.memory_space<vmem>> -> memref<128xi32, #tpu.memory_space<vmem>>
      %dma_wait3A_244 = arith.constant 0 : i32
      %dma_wait3A_245 = arith.constant 0 : i32
      %dma_wait3A_246 = tpu.memref_slice %arg2[%dma_wait3A_244, %dma_wait3A_245] : memref<100000x128xf32, #tpu.memory_space<hbm>> -> memref<100000x128xf32, #tpu.memory_space<hbm>>
      tpu.wait_indirect_dma semaphore(%arg11 : memref<!tpu.dma_semaphore, #tpu.memory_space<semaphore_mem>>) src(%dma_wait3A_246 : memref<100000x128xf32, #tpu.memory_space<hbm>>) dst(%arg6 : memref<128x128xf32, #tpu.memory_space<vmem>>)
      %scan3A_247 = arith.constant 0 : i32
      %scan3A_248 = arith.constant 128 : i32
      %scan3A_249 = arith.addi %scan3A_247, %scan3A_248 : i32
      %scan3A_250 = arith.constant 1 : i32
      scf.for %scan3A_339 = %scan3A_247 to %scan3A_249 step %scan3A_250  : i32 {
        %mul3A_340 = arith.constant 1 : i32
        %mul3A_341 = arith.muli %scan3A_339, %mul3A_340 : i32
        %add3A_342 = arith.constant 0 : i32
        %add3A_343 = arith.addi %add3A_342, %mul3A_341 : i32
        %get3A = arith.index_cast %add3A_343 : i32 to index
        %get3A_344 = arith.constant 0 : index
        %get3A_345 = tpu.vector_load %arg6[%get3A, %get3A_344] {strides = array<i32>} : memref<128x128xf32, #tpu.memory_space<vmem>>, vector<1x16xf32>,
        %get3A_346 = vector.shape_cast %get3A_345 : vector<1x16xf32> to vector<16xf32>
        %mul3A_347 = arith.constant 11.3137083 : f32
        %mul3A_348 = vector.broadcast %mul3A_347 : f32 to vector<16xf32>
        %mul3A_349 = arith.mulf %get3A_346, %mul3A_348 : vector<16xf32>
        %swap3A = arith.index_cast %add3A_343 : i32 to index
        %swap3A_350 = arith.constant 0 : index
        %swap3A_351 = tpu.vector_load %arg6[%swap3A, %swap3A_350] {strides = array<i32>} : memref<128x128xf32, #tpu.memory_space<vmem>>, vector<1x16xf32>,
        %swap3A_352 = vector.shape_cast %swap3A_351 : vector<1x16xf32> to vector<16xf32>
        %swap3A_353 = vector.shape_cast %mul3A_349 : vector<16xf32> to vector<1x16xf32>
        tpu.vector_store %arg6[%swap3A, %swap3A_350], %swap3A_353 {strides = array<i32>} : memref<128x128xf32, #tpu.memory_space<vmem>>, vector<1x16xf32>,
        %get3A_354 = arith.index_cast %add3A_343 : i32 to index
        %get3A_355 = arith.constant 16 : index
        %get3A_356 = tpu.vector_load %arg6[%get3A_354, %get3A_355] {strides = array<i32>} : memref<128x128xf32, #tpu.memory_space<vmem>>, vector<1x16xf32>,
        %get3A_357 = vector.shape_cast %get3A_356 : vector<1x16xf32> to vector<16xf32>
        %mul3A_358 = arith.constant 11.3137083 : f32
        %mul3A_359 = vector.broadcast %mul3A_358 : f32 to vector<16xf32>
        %mul3A_360 = arith.mulf %get3A_357, %mul3A_359 : vector<16xf32>
        %swap3A_361 = arith.index_cast %add3A_343 : i32 to index
        %swap3A_362 = arith.constant 16 : index
        %swap3A_363 = tpu.vector_load %arg6[%swap3A_361, %swap3A_362] {strides = array<i32>} : memref<128x128xf32, #tpu.memory_space<vmem>>, vector<1x16xf32>,
        %swap3A_364 = vector.shape_cast %swap3A_363 : vector<1x16xf32> to vector<16xf32>
        %swap3A_365 = vector.shape_cast %mul3A_360 : vector<16xf32> to vector<1x16xf32>
        tpu.vector_store %arg6[%swap3A_361, %swap3A_362], %swap3A_365 {strides = array<i32>} : memref<128x128xf32, #tpu.memory_space<vmem>>, vector<1x16xf32>,
        %get3A_366 = arith.index_cast %add3A_343 : i32 to index
        %get3A_367 = arith.constant 32 : index
        %get3A_368 = tpu.vector_load %arg6[%get3A_366, %get3A_367] {strides = array<i32>} : memref<128x128xf32, #tpu.memory_space<vmem>>, vector<1x16xf32>,
        %get3A_369 = vector.shape_cast %get3A_368 : vector<1x16xf32> to vector<16xf32>
        %mul3A_370 = arith.constant 11.3137083 : f32
        %mul3A_371 = vector.broadcast %mul3A_370 : f32 to vector<16xf32>
        %mul3A_372 = arith.mulf %get3A_369, %mul3A_371 : vector<16xf32>
        %swap3A_373 = arith.index_cast %add3A_343 : i32 to index
        %swap3A_374 = arith.constant 32 : index
        %swap3A_375 = tpu.vector_load %arg6[%swap3A_373, %swap3A_374] {strides = array<i32>} : memref<128x128xf32, #tpu.memory_space<vmem>>, vector<1x16xf32>,
        %swap3A_376 = vector.shape_cast %swap3A_375 : vector<1x16xf32> to vector<16xf32>
        %swap3A_377 = vector.shape_cast %mul3A_372 : vector<16xf32> to vector<1x16xf32>
        tpu.vector_store %arg6[%swap3A_373, %swap3A_374], %swap3A_377 {strides = array<i32>} : memref<128x128xf32, #tpu.memory_space<vmem>>, vector<1x16xf32>,
        %get3A_378 = arith.index_cast %add3A_343 : i32 to index
        %get3A_379 = arith.constant 48 : index
        %get3A_380 = tpu.vector_load %arg6[%get3A_378, %get3A_379] {strides = array<i32>} : memref<128x128xf32, #tpu.memory_space<vmem>>, vector<1x16xf32>,
        %get3A_381 = vector.shape_cast %get3A_380 : vector<1x16xf32> to vector<16xf32>
        %mul3A_382 = arith.constant 11.3137083 : f32
        %mul3A_383 = vector.broadcast %mul3A_382 : f32 to vector<16xf32>
        %mul3A_384 = arith.mulf %get3A_381, %mul3A_383 : vector<16xf32>
        %swap3A_385 = arith.index_cast %add3A_343 : i32 to index
        %swap3A_386 = arith.constant 48 : index
        %swap3A_387 = tpu.vector_load %arg6[%swap3A_385, %swap3A_386] {strides = array<i32>} : memref<128x128xf32, #tpu.memory_space<vmem>>, vector<1x16xf32>,
        %swap3A_388 = vector.shape_cast %swap3A_387 : vector<1x16xf32> to vector<16xf32>
        %swap3A_389 = vector.shape_cast %mul3A_384 : vector<16xf32> to vector<1x16xf32>
        tpu.vector_store %arg6[%swap3A_385, %swap3A_386], %swap3A_389 {strides = array<i32>} : memref<128x128xf32, #tpu.memory_space<vmem>>, vector<1x16xf32>,
        %get3A_390 = arith.index_cast %add3A_343 : i32 to index
        %get3A_391 = arith.constant 64 : index
        %get3A_392 = tpu.vector_load %arg6[%get3A_390, %get3A_391] {strides = array<i32>} : memref<128x128xf32, #tpu.memory_space<vmem>>, vector<1x16xf32>,
        %get3A_393 = vector.shape_cast %get3A_392 : vector<1x16xf32> to vector<16xf32>
        %mul3A_394 = arith.constant 11.3137083 : f32
        %mul3A_395 = vector.broadcast %mul3A_394 : f32 to vector<16xf32>
        %mul3A_396 = arith.mulf %get3A_393, %mul3A_395 : vector<16xf32>
        %swap3A_397 = arith.index_cast %add3A_343 : i32 to index
        %swap3A_398 = arith.constant 64 : index
        %swap3A_399 = tpu.vector_load %arg6[%swap3A_397, %swap3A_398] {strides = array<i32>} : memref<128x128xf32, #tpu.memory_space<vmem>>, vector<1x16xf32>,
        %swap3A_400 = vector.shape_cast %swap3A_399 : vector<1x16xf32> to vector<16xf32>
        %swap3A_401 = vector.shape_cast %mul3A_396 : vector<16xf32> to vector<1x16xf32>
        tpu.vector_store %arg6[%swap3A_397, %swap3A_398], %swap3A_401 {strides = array<i32>} : memref<128x128xf32, #tpu.memory_space<vmem>>, vector<1x16xf32>,
        %get3A_402 = arith.index_cast %add3A_343 : i32 to index
        %get3A_403 = arith.constant 80 : index
        %get3A_404 = tpu.vector_load %arg6[%get3A_402, %get3A_403] {strides = array<i32>} : memref<128x128xf32, #tpu.memory_space<vmem>>, vector<1x16xf32>,
        %get3A_405 = vector.shape_cast %get3A_404 : vector<1x16xf32> to vector<16xf32>
        %mul3A_406 = arith.constant 11.3137083 : f32
        %mul3A_407 = vector.broadcast %mul3A_406 : f32 to vector<16xf32>
        %mul3A_408 = arith.mulf %get3A_405, %mul3A_407 : vector<16xf32>
        %swap3A_409 = arith.index_cast %add3A_343 : i32 to index
        %swap3A_410 = arith.constant 80 : index
        %swap3A_411 = tpu.vector_load %arg6[%swap3A_409, %swap3A_410] {strides = array<i32>} : memref<128x128xf32, #tpu.memory_space<vmem>>, vector<1x16xf32>,
        %swap3A_412 = vector.shape_cast %swap3A_411 : vector<1x16xf32> to vector<16xf32>
        %swap3A_413 = vector.shape_cast %mul3A_408 : vector<16xf32> to vector<1x16xf32>
        tpu.vector_store %arg6[%swap3A_409, %swap3A_410], %swap3A_413 {strides = array<i32>} : memref<128x128xf32, #tpu.memory_space<vmem>>, vector<1x16xf32>,
        %get3A_414 = arith.index_cast %add3A_343 : i32 to index
        %get3A_415 = arith.constant 96 : index
        %get3A_416 = tpu.vector_load %arg6[%get3A_414, %get3A_415] {strides = array<i32>} : memref<128x128xf32, #tpu.memory_space<vmem>>, vector<1x16xf32>,
        %get3A_417 = vector.shape_cast %get3A_416 : vector<1x16xf32> to vector<16xf32>
        %mul3A_418 = arith.constant 11.3137083 : f32
        %mul3A_419 = vector.broadcast %mul3A_418 : f32 to vector<16xf32>
        %mul3A_420 = arith.mulf %get3A_417, %mul3A_419 : vector<16xf32>
        %swap3A_421 = arith.index_cast %add3A_343 : i32 to index
        %swap3A_422 = arith.constant 96 : index
        %swap3A_423 = tpu.vector_load %arg6[%swap3A_421, %swap3A_422] {strides = array<i32>} : memref<128x128xf32, #tpu.memory_space<vmem>>, vector<1x16xf32>,
        %swap3A_424 = vector.shape_cast %swap3A_423 : vector<1x16xf32> to vector<16xf32>
        %swap3A_425 = vector.shape_cast %mul3A_420 : vector<16xf32> to vector<1x16xf32>
        tpu.vector_store %arg6[%swap3A_421, %swap3A_422], %swap3A_425 {strides = array<i32>} : memref<128x128xf32, #tpu.memory_space<vmem>>, vector<1x16xf32>,
        %get3A_426 = arith.index_cast %add3A_343 : i32 to index
        %get3A_427 = arith.constant 112 : index
        %get3A_428 = tpu.vector_load %arg6[%get3A_426, %get3A_427] {strides = array<i32>} : memref<128x128xf32, #tpu.memory_space<vmem>>, vector<1x16xf32>,
        %get3A_429 = vector.shape_cast %get3A_428 : vector<1x16xf32> to vector<16xf32>
        %mul3A_430 = arith.constant 11.3137083 : f32
        %mul3A_431 = vector.broadcast %mul3A_430 : f32 to vector<16xf32>
        %mul3A_432 = arith.mulf %get3A_429, %mul3A_431 : vector<16xf32>
        %swap3A_433 = arith.index_cast %add3A_343 : i32 to index
        %swap3A_434 = arith.constant 112 : index
        %swap3A_435 = tpu.vector_load %arg6[%swap3A_433, %swap3A_434] {strides = array<i32>} : memref<128x128xf32, #tpu.memory_space<vmem>>, vector<1x16xf32>,
        %swap3A_436 = vector.shape_cast %swap3A_435 : vector<1x16xf32> to vector<16xf32>
        %swap3A_437 = vector.shape_cast %mul3A_432 : vector<16xf32> to vector<1x16xf32>
        tpu.vector_store %arg6[%swap3A_433, %swap3A_434], %swap3A_437 {strides = array<i32>} : memref<128x128xf32, #tpu.memory_space<vmem>>, vector<1x16xf32>,
      }
      %scan3A_251 = arith.constant 128 : i32
      %sub3A_252 = arith.constant 2 : i32
      %sub3A_253 = arith.subi %add3A_223, %sub3A_252 : i32
      %mul3A_254 = arith.constant 128 : i32
      %mul3A_255 = arith.muli %sub3A_253, %mul3A_254 : i32
      %add3A_256 = arith.addi %mul3A_2, %mul3A_255 : i32
      %dma_start3A_257 = arith.constant 0 : i32
      %dma_start3A_258 = tpu.memref_slice %arg4[%add3A_256, %dma_start3A_257] : memref<819200x128xf32, #tpu.memory_space<hbm>> -> memref<128x128xf32, #tpu.memory_space<hbm>>
      %dma_start3A_259 = arith.constant 0 : i32
      %dma_start3A_260 = tpu.memref_slice %arg4[%add3A_256, %dma_start3A_259] : memref<819200x128xf32, #tpu.memory_space<hbm>> -> memref<128x128xf32, #tpu.memory_space<hbm>>
      tpu.enqueue_dma source(%arg6 : memref<128x128xf32, #tpu.memory_space<vmem>>) target(%dma_start3A_260 : memref<128x128xf32, #tpu.memory_space<hbm>>) target_semaphore(%arg16 : memref<!tpu.dma_semaphore, #tpu.memory_space<semaphore_mem>>)
      %add3A_261 = arith.constant 3 : i32
      %add3A_262 = arith.addi %add3A_144, %add3A_261 : i32
      %sub3A_263 = arith.constant 5 : i32
      %sub3A_264 = arith.subi %add3A_262, %sub3A_263 : i32
      %mul3A_265 = arith.constant 128 : i32
      %mul3A_266 = arith.muli %sub3A_264, %mul3A_265 : i32
      %add3A_267 = arith.addi %mul3A_2, %mul3A_266 : i32
      %dma_wait3A_268 = arith.constant 0 : i32
      %dma_wait3A_269 = tpu.memref_slice %arg4[%add3A_267, %dma_wait3A_268] : memref<819200x128xf32, #tpu.memory_space<hbm>> -> memref<128x128xf32, #tpu.memory_space<hbm>>
      %dma_wait3A_270 = arith.constant 0 : i32
      %dma_wait3A_271 = tpu.memref_slice %arg4[%add3A_267, %dma_wait3A_270] : memref<819200x128xf32, #tpu.memory_space<hbm>> -> memref<128x128xf32, #tpu.memory_space<hbm>>
      tpu.wait_dma2 semaphore(%arg19 : memref<!tpu.dma_semaphore, #tpu.memory_space<semaphore_mem>>) src(%arg9 : memref<128x128xf32, #tpu.memory_space<vmem>>) dst(%dma_wait3A_271 : memref<128x128xf32, #tpu.memory_space<hbm>>)
      %mul3A_272 = arith.constant 128 : i32
      %mul3A_273 = arith.muli %add3A_262, %mul3A_272 : i32
      %dma_start3A_274 = tpu.memref_slice %arg5[%mul3A_273] : memref<25600xi32, #tpu.memory_space<vmem>> -> memref<128xi32, #tpu.memory_space<vmem>>
      %dma_start3A_275 = arith.constant 0 : i32
      %dma_start3A_276 = arith.constant 0 : i32
      %dma_start3A_277 = tpu.memref_slice %arg2[%dma_start3A_275, %dma_start3A_276] : memref<100000x128xf32, #tpu.memory_space<hbm>> -> memref<100000x128xf32, #tpu.memory_space<hbm>>
      tpu.enqueue_indirect_dma source(%dma_start3A_277 : memref<100000x128xf32, #tpu.memory_space<hbm>>) target(%arg9 : memref<128x128xf32, #tpu.memory_space<vmem>>) offsets(%dma_start3A_274 : memref<128xi32, #tpu.memory_space<vmem>>) semaphore(%arg14 : memref<!tpu.dma_semaphore, #tpu.memory_space<semaphore_mem>>)
      %sub3A_278 = arith.constant 2 : i32
      %sub3A_279 = arith.subi %add3A_262, %sub3A_278 : i32
      %mul3A_280 = arith.constant 128 : i32
      %mul3A_281 = arith.muli %sub3A_279, %mul3A_280 : i32
      %dma_wait3A_282 = tpu.memref_slice %arg5[%mul3A_281] : memref<25600xi32, #tpu.memory_space<vmem>> -> memref<128xi32, #tpu.memory_space<vmem>>
      %dma_wait3A_283 = arith.constant 0 : i32
      %dma_wait3A_284 = arith.constant 0 : i32
      %dma_wait3A_285 = tpu.memref_slice %arg2[%dma_wait3A_283, %dma_wait3A_284] : memref<100000x128xf32, #tpu.memory_space<hbm>> -> memref<100000x128xf32, #tpu.memory_space<hbm>>
      tpu.wait_indirect_dma semaphore(%arg12 : memref<!tpu.dma_semaphore, #tpu.memory_space<semaphore_mem>>) src(%dma_wait3A_285 : memref<100000x128xf32, #tpu.memory_space<hbm>>) dst(%arg7 : memref<128x128xf32, #tpu.memory_space<vmem>>)
      %scan3A_286 = arith.constant 0 : i32
      %scan3A_287 = arith.constant 128 : i32
      %scan3A_288 = arith.addi %scan3A_286, %scan3A_287 : i32
      %scan3A_289 = arith.constant 1 : i32
      scf.for %scan3A_339 = %scan3A_286 to %scan3A_288 step %scan3A_289  : i32 {
        %mul3A_340 = arith.constant 1 : i32
        %mul3A_341 = arith.muli %scan3A_339, %mul3A_340 : i32
        %add3A_342 = arith.constant 0 : i32
        %add3A_343 = arith.addi %add3A_342, %mul3A_341 : i32
        %get3A = arith.index_cast %add3A_343 : i32 to index
        %get3A_344 = arith.constant 0 : index
        %get3A_345 = tpu.vector_load %arg7[%get3A, %get3A_344] {strides = array<i32>} : memref<128x128xf32, #tpu.memory_space<vmem>>, vector<1x16xf32>,
        %get3A_346 = vector.shape_cast %get3A_345 : vector<1x16xf32> to vector<16xf32>
        %mul3A_347 = arith.constant 11.3137083 : f32
        %mul3A_348 = vector.broadcast %mul3A_347 : f32 to vector<16xf32>
        %mul3A_349 = arith.mulf %get3A_346, %mul3A_348 : vector<16xf32>
        %swap3A = arith.index_cast %add3A_343 : i32 to index
        %swap3A_350 = arith.constant 0 : index
        %swap3A_351 = tpu.vector_load %arg7[%swap3A, %swap3A_350] {strides = array<i32>} : memref<128x128xf32, #tpu.memory_space<vmem>>, vector<1x16xf32>,
        %swap3A_352 = vector.shape_cast %swap3A_351 : vector<1x16xf32> to vector<16xf32>
        %swap3A_353 = vector.shape_cast %mul3A_349 : vector<16xf32> to vector<1x16xf32>
        tpu.vector_store %arg7[%swap3A, %swap3A_350], %swap3A_353 {strides = array<i32>} : memref<128x128xf32, #tpu.memory_space<vmem>>, vector<1x16xf32>,
        %get3A_354 = arith.index_cast %add3A_343 : i32 to index
        %get3A_355 = arith.constant 16 : index
        %get3A_356 = tpu.vector_load %arg7[%get3A_354, %get3A_355] {strides = array<i32>} : memref<128x128xf32, #tpu.memory_space<vmem>>, vector<1x16xf32>,
        %get3A_357 = vector.shape_cast %get3A_356 : vector<1x16xf32> to vector<16xf32>
        %mul3A_358 = arith.constant 11.3137083 : f32
        %mul3A_359 = vector.broadcast %mul3A_358 : f32 to vector<16xf32>
        %mul3A_360 = arith.mulf %get3A_357, %mul3A_359 : vector<16xf32>
        %swap3A_361 = arith.index_cast %add3A_343 : i32 to index
        %swap3A_362 = arith.constant 16 : index
        %swap3A_363 = tpu.vector_load %arg7[%swap3A_361, %swap3A_362] {strides = array<i32>} : memref<128x128xf32, #tpu.memory_space<vmem>>, vector<1x16xf32>,
        %swap3A_364 = vector.shape_cast %swap3A_363 : vector<1x16xf32> to vector<16xf32>
        %swap3A_365 = vector.shape_cast %mul3A_360 : vector<16xf32> to vector<1x16xf32>
        tpu.vector_store %arg7[%swap3A_361, %swap3A_362], %swap3A_365 {strides = array<i32>} : memref<128x128xf32, #tpu.memory_space<vmem>>, vector<1x16xf32>,
        %get3A_366 = arith.index_cast %add3A_343 : i32 to index
        %get3A_367 = arith.constant 32 : index
        %get3A_368 = tpu.vector_load %arg7[%get3A_366, %get3A_367] {strides = array<i32>} : memref<128x128xf32, #tpu.memory_space<vmem>>, vector<1x16xf32>,
        %get3A_369 = vector.shape_cast %get3A_368 : vector<1x16xf32> to vector<16xf32>
        %mul3A_370 = arith.constant 11.3137083 : f32
        %mul3A_371 = vector.broadcast %mul3A_370 : f32 to vector<16xf32>
        %mul3A_372 = arith.mulf %get3A_369, %mul3A_371 : vector<16xf32>
        %swap3A_373 = arith.index_cast %add3A_343 : i32 to index
        %swap3A_374 = arith.constant 32 : index
        %swap3A_375 = tpu.vector_load %arg7[%swap3A_373, %swap3A_374] {strides = array<i32>} : memref<128x128xf32, #tpu.memory_space<vmem>>, vector<1x16xf32>,
        %swap3A_376 = vector.shape_cast %swap3A_375 : vector<1x16xf32> to vector<16xf32>
        %swap3A_377 = vector.shape_cast %mul3A_372 : vector<16xf32> to vector<1x16xf32>
        tpu.vector_store %arg7[%swap3A_373, %swap3A_374], %swap3A_377 {strides = array<i32>} : memref<128x128xf32, #tpu.memory_space<vmem>>, vector<1x16xf32>,
        %get3A_378 = arith.index_cast %add3A_343 : i32 to index
        %get3A_379 = arith.constant 48 : index
        %get3A_380 = tpu.vector_load %arg7[%get3A_378, %get3A_379] {strides = array<i32>} : memref<128x128xf32, #tpu.memory_space<vmem>>, vector<1x16xf32>,
        %get3A_381 = vector.shape_cast %get3A_380 : vector<1x16xf32> to vector<16xf32>
        %mul3A_382 = arith.constant 11.3137083 : f32
        %mul3A_383 = vector.broadcast %mul3A_382 : f32 to vector<16xf32>
        %mul3A_384 = arith.mulf %get3A_381, %mul3A_383 : vector<16xf32>
        %swap3A_385 = arith.index_cast %add3A_343 : i32 to index
        %swap3A_386 = arith.constant 48 : index
        %swap3A_387 = tpu.vector_load %arg7[%swap3A_385, %swap3A_386] {strides = array<i32>} : memref<128x128xf32, #tpu.memory_space<vmem>>, vector<1x16xf32>,
        %swap3A_388 = vector.shape_cast %swap3A_387 : vector<1x16xf32> to vector<16xf32>
        %swap3A_389 = vector.shape_cast %mul3A_384 : vector<16xf32> to vector<1x16xf32>
        tpu.vector_store %arg7[%swap3A_385, %swap3A_386], %swap3A_389 {strides = array<i32>} : memref<128x128xf32, #tpu.memory_space<vmem>>, vector<1x16xf32>,
        %get3A_390 = arith.index_cast %add3A_343 : i32 to index
        %get3A_391 = arith.constant 64 : index
        %get3A_392 = tpu.vector_load %arg7[%get3A_390, %get3A_391] {strides = array<i32>} : memref<128x128xf32, #tpu.memory_space<vmem>>, vector<1x16xf32>,
        %get3A_393 = vector.shape_cast %get3A_392 : vector<1x16xf32> to vector<16xf32>
        %mul3A_394 = arith.constant 11.3137083 : f32
        %mul3A_395 = vector.broadcast %mul3A_394 : f32 to vector<16xf32>
        %mul3A_396 = arith.mulf %get3A_393, %mul3A_395 : vector<16xf32>
        %swap3A_397 = arith.index_cast %add3A_343 : i32 to index
        %swap3A_398 = arith.constant 64 : index
        %swap3A_399 = tpu.vector_load %arg7[%swap3A_397, %swap3A_398] {strides = array<i32>} : memref<128x128xf32, #tpu.memory_space<vmem>>, vector<1x16xf32>,
        %swap3A_400 = vector.shape_cast %swap3A_399 : vector<1x16xf32> to vector<16xf32>
        %swap3A_401 = vector.shape_cast %mul3A_396 : vector<16xf32> to vector<1x16xf32>
        tpu.vector_store %arg7[%swap3A_397, %swap3A_398], %swap3A_401 {strides = array<i32>} : memref<128x128xf32, #tpu.memory_space<vmem>>, vector<1x16xf32>,
        %get3A_402 = arith.index_cast %add3A_343 : i32 to index
        %get3A_403 = arith.constant 80 : index
        %get3A_404 = tpu.vector_load %arg7[%get3A_402, %get3A_403] {strides = array<i32>} : memref<128x128xf32, #tpu.memory_space<vmem>>, vector<1x16xf32>,
        %get3A_405 = vector.shape_cast %get3A_404 : vector<1x16xf32> to vector<16xf32>
        %mul3A_406 = arith.constant 11.3137083 : f32
        %mul3A_407 = vector.broadcast %mul3A_406 : f32 to vector<16xf32>
        %mul3A_408 = arith.mulf %get3A_405, %mul3A_407 : vector<16xf32>
        %swap3A_409 = arith.index_cast %add3A_343 : i32 to index
        %swap3A_410 = arith.constant 80 : index
        %swap3A_411 = tpu.vector_load %arg7[%swap3A_409, %swap3A_410] {strides = array<i32>} : memref<128x128xf32, #tpu.memory_space<vmem>>, vector<1x16xf32>,
        %swap3A_412 = vector.shape_cast %swap3A_411 : vector<1x16xf32> to vector<16xf32>
        %swap3A_413 = vector.shape_cast %mul3A_408 : vector<16xf32> to vector<1x16xf32>
        tpu.vector_store %arg7[%swap3A_409, %swap3A_410], %swap3A_413 {strides = array<i32>} : memref<128x128xf32, #tpu.memory_space<vmem>>, vector<1x16xf32>,
        %get3A_414 = arith.index_cast %add3A_343 : i32 to index
        %get3A_415 = arith.constant 96 : index
        %get3A_416 = tpu.vector_load %arg7[%get3A_414, %get3A_415] {strides = array<i32>} : memref<128x128xf32, #tpu.memory_space<vmem>>, vector<1x16xf32>,
        %get3A_417 = vector.shape_cast %get3A_416 : vector<1x16xf32> to vector<16xf32>
        %mul3A_418 = arith.constant 11.3137083 : f32
        %mul3A_419 = vector.broadcast %mul3A_418 : f32 to vector<16xf32>
        %mul3A_420 = arith.mulf %get3A_417, %mul3A_419 : vector<16xf32>
        %swap3A_421 = arith.index_cast %add3A_343 : i32 to index
        %swap3A_422 = arith.constant 96 : index
        %swap3A_423 = tpu.vector_load %arg7[%swap3A_421, %swap3A_422] {strides = array<i32>} : memref<128x128xf32, #tpu.memory_space<vmem>>, vector<1x16xf32>,
        %swap3A_424 = vector.shape_cast %swap3A_423 : vector<1x16xf32> to vector<16xf32>
        %swap3A_425 = vector.shape_cast %mul3A_420 : vector<16xf32> to vector<1x16xf32>
        tpu.vector_store %arg7[%swap3A_421, %swap3A_422], %swap3A_425 {strides = array<i32>} : memref<128x128xf32, #tpu.memory_space<vmem>>, vector<1x16xf32>,
        %get3A_426 = arith.index_cast %add3A_343 : i32 to index
        %get3A_427 = arith.constant 112 : index
        %get3A_428 = tpu.vector_load %arg7[%get3A_426, %get3A_427] {strides = array<i32>} : memref<128x128xf32, #tpu.memory_space<vmem>>, vector<1x16xf32>,
        %get3A_429 = vector.shape_cast %get3A_428 : vector<1x16xf32> to vector<16xf32>
        %mul3A_430 = arith.constant 11.3137083 : f32
        %mul3A_431 = vector.broadcast %mul3A_430 : f32 to vector<16xf32>
        %mul3A_432 = arith.mulf %get3A_429, %mul3A_431 : vector<16xf32>
        %swap3A_433 = arith.index_cast %add3A_343 : i32 to index
        %swap3A_434 = arith.constant 112 : index
        %swap3A_435 = tpu.vector_load %arg7[%swap3A_433, %swap3A_434] {strides = array<i32>} : memref<128x128xf32, #tpu.memory_space<vmem>>, vector<1x16xf32>,
        %swap3A_436 = vector.shape_cast %swap3A_435 : vector<1x16xf32> to vector<16xf32>
        %swap3A_437 = vector.shape_cast %mul3A_432 : vector<16xf32> to vector<1x16xf32>
        tpu.vector_store %arg7[%swap3A_433, %swap3A_434], %swap3A_437 {strides = array<i32>} : memref<128x128xf32, #tpu.memory_space<vmem>>, vector<1x16xf32>,
      }
      %scan3A_290 = arith.constant 128 : i32
      %sub3A_291 = arith.constant 2 : i32
      %sub3A_292 = arith.subi %add3A_262, %sub3A_291 : i32
      %mul3A_293 = arith.constant 128 : i32
      %mul3A_294 = arith.muli %sub3A_292, %mul3A_293 : i32
      %add3A_295 = arith.addi %mul3A_2, %mul3A_294 : i32
      %dma_start3A_296 = arith.constant 0 : i32
      %dma_start3A_297 = tpu.memref_slice %arg4[%add3A_295, %dma_start3A_296] : memref<819200x128xf32, #tpu.memory_space<hbm>> -> memref<128x128xf32, #tpu.memory_space<hbm>>
      %dma_start3A_298 = arith.constant 0 : i32
      %dma_start3A_299 = tpu.memref_slice %arg4[%add3A_295, %dma_start3A_298] : memref<819200x128xf32, #tpu.memory_space<hbm>> -> memref<128x128xf32, #tpu.memory_space<hbm>>
      tpu.enqueue_dma source(%arg7 : memref<128x128xf32, #tpu.memory_space<vmem>>) target(%dma_start3A_299 : memref<128x128xf32, #tpu.memory_space<hbm>>) target_semaphore(%arg17 : memref<!tpu.dma_semaphore, #tpu.memory_space<semaphore_mem>>)
      %add3A_300 = arith.constant 4 : i32
      %add3A_301 = arith.addi %add3A_144, %add3A_300 : i32
      %sub3A_302 = arith.constant 5 : i32
      %sub3A_303 = arith.subi %add3A_301, %sub3A_302 : i32
      %mul3A_304 = arith.constant 128 : i32
      %mul3A_305 = arith.muli %sub3A_303, %mul3A_304 : i32
      %add3A_306 = arith.addi %mul3A_2, %mul3A_305 : i32
      %dma_wait3A_307 = arith.constant 0 : i32
      %dma_wait3A_308 = tpu.memref_slice %arg4[%add3A_306, %dma_wait3A_307] : memref<819200x128xf32, #tpu.memory_space<hbm>> -> memref<128x128xf32, #tpu.memory_space<hbm>>
      %dma_wait3A_309 = arith.constant 0 : i32
      %dma_wait3A_310 = tpu.memref_slice %arg4[%add3A_306, %dma_wait3A_309] : memref<819200x128xf32, #tpu.memory_space<hbm>> -> memref<128x128xf32, #tpu.memory_space<hbm>>
      tpu.wait_dma2 semaphore(%arg20 : memref<!tpu.dma_semaphore, #tpu.memory_space<semaphore_mem>>) src(%arg10 : memref<128x128xf32, #tpu.memory_space<vmem>>) dst(%dma_wait3A_310 : memref<128x128xf32, #tpu.memory_space<hbm>>)
      %mul3A_311 = arith.constant 128 : i32
      %mul3A_312 = arith.muli %add3A_301, %mul3A_311 : i32
      %dma_start3A_313 = tpu.memref_slice %arg5[%mul3A_312] : memref<25600xi32, #tpu.memory_space<vmem>> -> memref<128xi32, #tpu.memory_space<vmem>>
      %dma_start3A_314 = arith.constant 0 : i32
      %dma_start3A_315 = arith.constant 0 : i32
      %dma_start3A_316 = tpu.memref_slice %arg2[%dma_start3A_314, %dma_start3A_315] : memref<100000x128xf32, #tpu.memory_space<hbm>> -> memref<100000x128xf32, #tpu.memory_space<hbm>>
      tpu.enqueue_indirect_dma source(%dma_start3A_316 : memref<100000x128xf32, #tpu.memory_space<hbm>>) target(%arg10 : memref<128x128xf32, #tpu.memory_space<vmem>>) offsets(%dma_start3A_313 : memref<128xi32, #tpu.memory_space<vmem>>) semaphore(%arg15 : memref<!tpu.dma_semaphore, #tpu.memory_space<semaphore_mem>>)
      %sub3A_317 = arith.constant 2 : i32
      %sub3A_318 = arith.subi %add3A_301, %sub3A_317 : i32
      %mul3A_319 = arith.constant 128 : i32
      %mul3A_320 = arith.muli %sub3A_318, %mul3A_319 : i32
      %dma_wait3A_321 = tpu.memref_slice %arg5[%mul3A_320] : memref<25600xi32, #tpu.memory_space<vmem>> -> memref<128xi32, #tpu.memory_space<vmem>>
      %dma_wait3A_322 = arith.constant 0 : i32
      %dma_wait3A_323 = arith.constant 0 : i32
      %dma_wait3A_324 = tpu.memref_slice %arg2[%dma_wait3A_322, %dma_wait3A_323] : memref<100000x128xf32, #tpu.memory_space<hbm>> -> memref<100000x128xf32, #tpu.memory_space<hbm>>
      tpu.wait_indirect_dma semaphore(%arg13 : memref<!tpu.dma_semaphore, #tpu.memory_space<semaphore_mem>>) src(%dma_wait3A_324 : memref<100000x128xf32, #tpu.memory_space<hbm>>) dst(%arg8 : memref<128x128xf32, #tpu.memory_space<vmem>>)
      %scan3A_325 = arith.constant 0 : i32
      %scan3A_326 = arith.constant 128 : i32
      %scan3A_327 = arith.addi %scan3A_325, %scan3A_326 : i32
      %scan3A_328 = arith.constant 1 : i32
      scf.for %scan3A_339 = %scan3A_325 to %scan3A_327 step %scan3A_328  : i32 {
        %mul3A_340 = arith.constant 1 : i32
        %mul3A_341 = arith.muli %scan3A_339, %mul3A_340 : i32
        %add3A_342 = arith.constant 0 : i32
        %add3A_343 = arith.addi %add3A_342, %mul3A_341 : i32
        %get3A = arith.index_cast %add3A_343 : i32 to index
        %get3A_344 = arith.constant 0 : index
        %get3A_345 = tpu.vector_load %arg8[%get3A, %get3A_344] {strides = array<i32>} : memref<128x128xf32, #tpu.memory_space<vmem>>, vector<1x16xf32>,
        %get3A_346 = vector.shape_cast %get3A_345 : vector<1x16xf32> to vector<16xf32>
        %mul3A_347 = arith.constant 11.3137083 : f32
        %mul3A_348 = vector.broadcast %mul3A_347 : f32 to vector<16xf32>
        %mul3A_349 = arith.mulf %get3A_346, %mul3A_348 : vector<16xf32>
        %swap3A = arith.index_cast %add3A_343 : i32 to index
        %swap3A_350 = arith.constant 0 : index
        %swap3A_351 = tpu.vector_load %arg8[%swap3A, %swap3A_350] {strides = array<i32>} : memref<128x128xf32, #tpu.memory_space<vmem>>, vector<1x16xf32>,
        %swap3A_352 = vector.shape_cast %swap3A_351 : vector<1x16xf32> to vector<16xf32>
        %swap3A_353 = vector.shape_cast %mul3A_349 : vector<16xf32> to vector<1x16xf32>
        tpu.vector_store %arg8[%swap3A, %swap3A_350], %swap3A_353 {strides = array<i32>} : memref<128x128xf32, #tpu.memory_space<vmem>>, vector<1x16xf32>,
        %get3A_354 = arith.index_cast %add3A_343 : i32 to index
        %get3A_355 = arith.constant 16 : index
        %get3A_356 = tpu.vector_load %arg8[%get3A_354, %get3A_355] {strides = array<i32>} : memref<128x128xf32, #tpu.memory_space<vmem>>, vector<1x16xf32>,
        %get3A_357 = vector.shape_cast %get3A_356 : vector<1x16xf32> to vector<16xf32>
        %mul3A_358 = arith.constant 11.3137083 : f32
        %mul3A_359 = vector.broadcast %mul3A_358 : f32 to vector<16xf32>
        %mul3A_360 = arith.mulf %get3A_357, %mul3A_359 : vector<16xf32>
        %swap3A_361 = arith.index_cast %add3A_343 : i32 to index
        %swap3A_362 = arith.constant 16 : index
        %swap3A_363 = tpu.vector_load %arg8[%swap3A_361, %swap3A_362] {strides = array<i32>} : memref<128x128xf32, #tpu.memory_space<vmem>>, vector<1x16xf32>,
        %swap3A_364 = vector.shape_cast %swap3A_363 : vector<1x16xf32> to vector<16xf32>
        %swap3A_365 = vector.shape_cast %mul3A_360 : vector<16xf32> to vector<1x16xf32>
        tpu.vector_store %arg8[%swap3A_361, %swap3A_362], %swap3A_365 {strides = array<i32>} : memref<128x128xf32, #tpu.memory_space<vmem>>, vector<1x16xf32>,
        %get3A_366 = arith.index_cast %add3A_343 : i32 to index
        %get3A_367 = arith.constant 32 : index
        %get3A_368 = tpu.vector_load %arg8[%get3A_366, %get3A_367] {strides = array<i32>} : memref<128x128xf32, #tpu.memory_space<vmem>>, vector<1x16xf32>,
        %get3A_369 = vector.shape_cast %get3A_368 : vector<1x16xf32> to vector<16xf32>
        %mul3A_370 = arith.constant 11.3137083 : f32
        %mul3A_371 = vector.broadcast %mul3A_370 : f32 to vector<16xf32>
        %mul3A_372 = arith.mulf %get3A_369, %mul3A_371 : vector<16xf32>
        %swap3A_373 = arith.index_cast %add3A_343 : i32 to index
        %swap3A_374 = arith.constant 32 : index
        %swap3A_375 = tpu.vector_load %arg8[%swap3A_373, %swap3A_374] {strides = array<i32>} : memref<128x128xf32, #tpu.memory_space<vmem>>, vector<1x16xf32>,
        %swap3A_376 = vector.shape_cast %swap3A_375 : vector<1x16xf32> to vector<16xf32>
        %swap3A_377 = vector.shape_cast %mul3A_372 : vector<16xf32> to vector<1x16xf32>
        tpu.vector_store %arg8[%swap3A_373, %swap3A_374], %swap3A_377 {strides = array<i32>} : memref<128x128xf32, #tpu.memory_space<vmem>>, vector<1x16xf32>,
        %get3A_378 = arith.index_cast %add3A_343 : i32 to index
        %get3A_379 = arith.constant 48 : index
        %get3A_380 = tpu.vector_load %arg8[%get3A_378, %get3A_379] {strides = array<i32>} : memref<128x128xf32, #tpu.memory_space<vmem>>, vector<1x16xf32>,
        %get3A_381 = vector.shape_cast %get3A_380 : vector<1x16xf32> to vector<16xf32>
        %mul3A_382 = arith.constant 11.3137083 : f32
        %mul3A_383 = vector.broadcast %mul3A_382 : f32 to vector<16xf32>
        %mul3A_384 = arith.mulf %get3A_381, %mul3A_383 : vector<16xf32>
        %swap3A_385 = arith.index_cast %add3A_343 : i32 to index
        %swap3A_386 = arith.constant 48 : index
        %swap3A_387 = tpu.vector_load %arg8[%swap3A_385, %swap3A_386] {strides = array<i32>} : memref<128x128xf32, #tpu.memory_space<vmem>>, vector<1x16xf32>,
        %swap3A_388 = vector.shape_cast %swap3A_387 : vector<1x16xf32> to vector<16xf32>
        %swap3A_389 = vector.shape_cast %mul3A_384 : vector<16xf32> to vector<1x16xf32>
        tpu.vector_store %arg8[%swap3A_385, %swap3A_386], %swap3A_389 {strides = array<i32>} : memref<128x128xf32, #tpu.memory_space<vmem>>, vector<1x16xf32>,
        %get3A_390 = arith.index_cast %add3A_343 : i32 to index
        %get3A_391 = arith.constant 64 : index
        %get3A_392 = tpu.vector_load %arg8[%get3A_390, %get3A_391] {strides = array<i32>} : memref<128x128xf32, #tpu.memory_space<vmem>>, vector<1x16xf32>,
        %get3A_393 = vector.shape_cast %get3A_392 : vector<1x16xf32> to vector<16xf32>
        %mul3A_394 = arith.constant 11.3137083 : f32
        %mul3A_395 = vector.broadcast %mul3A_394 : f32 to vector<16xf32>
        %mul3A_396 = arith.mulf %get3A_393, %mul3A_395 : vector<16xf32>
        %swap3A_397 = arith.index_cast %add3A_343 : i32 to index
        %swap3A_398 = arith.constant 64 : index
        %swap3A_399 = tpu.vector_load %arg8[%swap3A_397, %swap3A_398] {strides = array<i32>} : memref<128x128xf32, #tpu.memory_space<vmem>>, vector<1x16xf32>,
        %swap3A_400 = vector.shape_cast %swap3A_399 : vector<1x16xf32> to vector<16xf32>
        %swap3A_401 = vector.shape_cast %mul3A_396 : vector<16xf32> to vector<1x16xf32>
        tpu.vector_store %arg8[%swap3A_397, %swap3A_398], %swap3A_401 {strides = array<i32>} : memref<128x128xf32, #tpu.memory_space<vmem>>, vector<1x16xf32>,
        %get3A_402 = arith.index_cast %add3A_343 : i32 to index
        %get3A_403 = arith.constant 80 : index
        %get3A_404 = tpu.vector_load %arg8[%get3A_402, %get3A_403] {strides = array<i32>} : memref<128x128xf32, #tpu.memory_space<vmem>>, vector<1x16xf32>,
        %get3A_405 = vector.shape_cast %get3A_404 : vector<1x16xf32> to vector<16xf32>
        %mul3A_406 = arith.constant 11.3137083 : f32
        %mul3A_407 = vector.broadcast %mul3A_406 : f32 to vector<16xf32>
        %mul3A_408 = arith.mulf %get3A_405, %mul3A_407 : vector<16xf32>
        %swap3A_409 = arith.index_cast %add3A_343 : i32 to index
        %swap3A_410 = arith.constant 80 : index
        %swap3A_411 = tpu.vector_load %arg8[%swap3A_409, %swap3A_410] {strides = array<i32>} : memref<128x128xf32, #tpu.memory_space<vmem>>, vector<1x16xf32>,
        %swap3A_412 = vector.shape_cast %swap3A_411 : vector<1x16xf32> to vector<16xf32>
        %swap3A_413 = vector.shape_cast %mul3A_408 : vector<16xf32> to vector<1x16xf32>
        tpu.vector_store %arg8[%swap3A_409, %swap3A_410], %swap3A_413 {strides = array<i32>} : memref<128x128xf32, #tpu.memory_space<vmem>>, vector<1x16xf32>,
        %get3A_414 = arith.index_cast %add3A_343 : i32 to index
        %get3A_415 = arith.constant 96 : index
        %get3A_416 = tpu.vector_load %arg8[%get3A_414, %get3A_415] {strides = array<i32>} : memref<128x128xf32, #tpu.memory_space<vmem>>, vector<1x16xf32>,
        %get3A_417 = vector.shape_cast %get3A_416 : vector<1x16xf32> to vector<16xf32>
        %mul3A_418 = arith.constant 11.3137083 : f32
        %mul3A_419 = vector.broadcast %mul3A_418 : f32 to vector<16xf32>
        %mul3A_420 = arith.mulf %get3A_417, %mul3A_419 : vector<16xf32>
        %swap3A_421 = arith.index_cast %add3A_343 : i32 to index
        %swap3A_422 = arith.constant 96 : index
        %swap3A_423 = tpu.vector_load %arg8[%swap3A_421, %swap3A_422] {strides = array<i32>} : memref<128x128xf32, #tpu.memory_space<vmem>>, vector<1x16xf32>,
        %swap3A_424 = vector.shape_cast %swap3A_423 : vector<1x16xf32> to vector<16xf32>
        %swap3A_425 = vector.shape_cast %mul3A_420 : vector<16xf32> to vector<1x16xf32>
        tpu.vector_store %arg8[%swap3A_421, %swap3A_422], %swap3A_425 {strides = array<i32>} : memref<128x128xf32, #tpu.memory_space<vmem>>, vector<1x16xf32>,
        %get3A_426 = arith.index_cast %add3A_343 : i32 to index
        %get3A_427 = arith.constant 112 : index
        %get3A_428 = tpu.vector_load %arg8[%get3A_426, %get3A_427] {strides = array<i32>} : memref<128x128xf32, #tpu.memory_space<vmem>>, vector<1x16xf32>,
        %get3A_429 = vector.shape_cast %get3A_428 : vector<1x16xf32> to vector<16xf32>
        %mul3A_430 = arith.constant 11.3137083 : f32
        %mul3A_431 = vector.broadcast %mul3A_430 : f32 to vector<16xf32>
        %mul3A_432 = arith.mulf %get3A_429, %mul3A_431 : vector<16xf32>
        %swap3A_433 = arith.index_cast %add3A_343 : i32 to index
        %swap3A_434 = arith.constant 112 : index
        %swap3A_435 = tpu.vector_load %arg8[%swap3A_433, %swap3A_434] {strides = array<i32>} : memref<128x128xf32, #tpu.memory_space<vmem>>, vector<1x16xf32>,
        %swap3A_436 = vector.shape_cast %swap3A_435 : vector<1x16xf32> to vector<16xf32>
        %swap3A_437 = vector.shape_cast %mul3A_432 : vector<16xf32> to vector<1x16xf32>
        tpu.vector_store %arg8[%swap3A_433, %swap3A_434], %swap3A_437 {strides = array<i32>} : memref<128x128xf32, #tpu.memory_space<vmem>>, vector<1x16xf32>,
      }
      %scan3A_329 = arith.constant 128 : i32
      %sub3A_330 = arith.constant 2 : i32
      %sub3A_331 = arith.subi %add3A_301, %sub3A_330 : i32
      %mul3A_332 = arith.constant 128 : i32
      %mul3A_333 = arith.muli %sub3A_331, %mul3A_332 : i32
      %add3A_334 = arith.addi %mul3A_2, %mul3A_333 : i32
      %dma_start3A_335 = arith.constant 0 : i32
      %dma_start3A_336 = tpu.memref_slice %arg4[%add3A_334, %dma_start3A_335] : memref<819200x128xf32, #tpu.memory_space<hbm>> -> memref<128x128xf32, #tpu.memory_space<hbm>>
      %dma_start3A_337 = arith.constant 0 : i32
      %dma_start3A_338 = tpu.memref_slice %arg4[%add3A_334, %dma_start3A_337] : memref<819200x128xf32, #tpu.memory_space<hbm>> -> memref<128x128xf32, #tpu.memory_space<hbm>>
      tpu.enqueue_dma source(%arg8 : memref<128x128xf32, #tpu.memory_space<vmem>>) target(%dma_start3A_338 : memref<128x128xf32, #tpu.memory_space<hbm>>) target_semaphore(%arg18 : memref<!tpu.dma_semaphore, #tpu.memory_space<semaphore_mem>>)
    }
    %scan3A_77 = arith.constant 39 : i32
    %dma_wait3A_78 = arith.constant 25344 : i32
    %dma_wait3A_79 = tpu.memref_slice %arg5[%dma_wait3A_78] : memref<25600xi32, #tpu.memory_space<vmem>> -> memref<128xi32, #tpu.memory_space<vmem>>
    %dma_wait3A_80 = arith.constant 0 : i32
    %dma_wait3A_81 = arith.constant 0 : i32
    %dma_wait3A_82 = tpu.memref_slice %arg2[%dma_wait3A_80, %dma_wait3A_81] : memref<100000x128xf32, #tpu.memory_space<hbm>> -> memref<100000x128xf32, #tpu.memory_space<hbm>>
    tpu.wait_indirect_dma semaphore(%arg14 : memref<!tpu.dma_semaphore, #tpu.memory_space<semaphore_mem>>) src(%dma_wait3A_82 : memref<100000x128xf32, #tpu.memory_space<hbm>>) dst(%arg9 : memref<128x128xf32, #tpu.memory_space<vmem>>)
    %scan3A_83 = arith.constant 0 : i32
    %scan3A_84 = arith.constant 128 : i32
    %scan3A_85 = arith.addi %scan3A_83, %scan3A_84 : i32
    %scan3A_86 = arith.constant 1 : i32
    scf.for %scan3A_140 = %scan3A_83 to %scan3A_85 step %scan3A_86  : i32 {
      %mul3A_141 = arith.constant 1 : i32
      %mul3A_142 = arith.muli %scan3A_140, %mul3A_141 : i32
      %add3A_143 = arith.constant 0 : i32
      %add3A_144 = arith.addi %add3A_143, %mul3A_142 : i32
      %get3A = arith.index_cast %add3A_144 : i32 to index
      %get3A_145 = arith.constant 0 : index
      %get3A_146 = tpu.vector_load %arg9[%get3A, %get3A_145] {strides = array<i32>} : memref<128x128xf32, #tpu.memory_space<vmem>>, vector<1x16xf32>,
      %get3A_147 = vector.shape_cast %get3A_146 : vector<1x16xf32> to vector<16xf32>
      %mul3A_148 = arith.constant 11.3137083 : f32
      %mul3A_149 = vector.broadcast %mul3A_148 : f32 to vector<16xf32>
      %mul3A_150 = arith.mulf %get3A_147, %mul3A_149 : vector<16xf32>
      %swap3A = arith.index_cast %add3A_144 : i32 to index
      %swap3A_151 = arith.constant 0 : index
      %swap3A_152 = tpu.vector_load %arg9[%swap3A, %swap3A_151] {strides = array<i32>} : memref<128x128xf32, #tpu.memory_space<vmem>>, vector<1x16xf32>,
      %swap3A_153 = vector.shape_cast %swap3A_152 : vector<1x16xf32> to vector<16xf32>
      %swap3A_154 = vector.shape_cast %mul3A_150 : vector<16xf32> to vector<1x16xf32>
      tpu.vector_store %arg9[%swap3A, %swap3A_151], %swap3A_154 {strides = array<i32>} : memref<128x128xf32, #tpu.memory_space<vmem>>, vector<1x16xf32>,
      %get3A_155 = arith.index_cast %add3A_144 : i32 to index
      %get3A_156 = arith.constant 16 : index
      %get3A_157 = tpu.vector_load %arg9[%get3A_155, %get3A_156] {strides = array<i32>} : memref<128x128xf32, #tpu.memory_space<vmem>>, vector<1x16xf32>,
      %get3A_158 = vector.shape_cast %get3A_157 : vector<1x16xf32> to vector<16xf32>
      %mul3A_159 = arith.constant 11.3137083 : f32
      %mul3A_160 = vector.broadcast %mul3A_159 : f32 to vector<16xf32>
      %mul3A_161 = arith.mulf %get3A_158, %mul3A_160 : vector<16xf32>
      %swap3A_162 = arith.index_cast %add3A_144 : i32 to index
      %swap3A_163 = arith.constant 16 : index
      %swap3A_164 = tpu.vector_load %arg9[%swap3A_162, %swap3A_163] {strides = array<i32>} : memref<128x128xf32, #tpu.memory_space<vmem>>, vector<1x16xf32>,
      %swap3A_165 = vector.shape_cast %swap3A_164 : vector<1x16xf32> to vector<16xf32>
      %swap3A_166 = vector.shape_cast %mul3A_161 : vector<16xf32> to vector<1x16xf32>
      tpu.vector_store %arg9[%swap3A_162, %swap3A_163], %swap3A_166 {strides = array<i32>} : memref<128x128xf32, #tpu.memory_space<vmem>>, vector<1x16xf32>,
      %get3A_167 = arith.index_cast %add3A_144 : i32 to index
      %get3A_168 = arith.constant 32 : index
      %get3A_169 = tpu.vector_load %arg9[%get3A_167, %get3A_168] {strides = array<i32>} : memref<128x128xf32, #tpu.memory_space<vmem>>, vector<1x16xf32>,
      %get3A_170 = vector.shape_cast %get3A_169 : vector<1x16xf32> to vector<16xf32>
      %mul3A_171 = arith.constant 11.3137083 : f32
      %mul3A_172 = vector.broadcast %mul3A_171 : f32 to vector<16xf32>
      %mul3A_173 = arith.mulf %get3A_170, %mul3A_172 : vector<16xf32>
      %swap3A_174 = arith.index_cast %add3A_144 : i32 to index
      %swap3A_175 = arith.constant 32 : index
      %swap3A_176 = tpu.vector_load %arg9[%swap3A_174, %swap3A_175] {strides = array<i32>} : memref<128x128xf32, #tpu.memory_space<vmem>>, vector<1x16xf32>,
      %swap3A_177 = vector.shape_cast %swap3A_176 : vector<1x16xf32> to vector<16xf32>
      %swap3A_178 = vector.shape_cast %mul3A_173 : vector<16xf32> to vector<1x16xf32>
      tpu.vector_store %arg9[%swap3A_174, %swap3A_175], %swap3A_178 {strides = array<i32>} : memref<128x128xf32, #tpu.memory_space<vmem>>, vector<1x16xf32>,
      %get3A_179 = arith.index_cast %add3A_144 : i32 to index
      %get3A_180 = arith.constant 48 : index
      %get3A_181 = tpu.vector_load %arg9[%get3A_179, %get3A_180] {strides = array<i32>} : memref<128x128xf32, #tpu.memory_space<vmem>>, vector<1x16xf32>,
      %get3A_182 = vector.shape_cast %get3A_181 : vector<1x16xf32> to vector<16xf32>
      %mul3A_183 = arith.constant 11.3137083 : f32
      %mul3A_184 = vector.broadcast %mul3A_183 : f32 to vector<16xf32>
      %mul3A_185 = arith.mulf %get3A_182, %mul3A_184 : vector<16xf32>
      %swap3A_186 = arith.index_cast %add3A_144 : i32 to index
      %swap3A_187 = arith.constant 48 : index
      %swap3A_188 = tpu.vector_load %arg9[%swap3A_186, %swap3A_187] {strides = array<i32>} : memref<128x128xf32, #tpu.memory_space<vmem>>, vector<1x16xf32>,
      %swap3A_189 = vector.shape_cast %swap3A_188 : vector<1x16xf32> to vector<16xf32>
      %swap3A_190 = vector.shape_cast %mul3A_185 : vector<16xf32> to vector<1x16xf32>
      tpu.vector_store %arg9[%swap3A_186, %swap3A_187], %swap3A_190 {strides = array<i32>} : memref<128x128xf32, #tpu.memory_space<vmem>>, vector<1x16xf32>,
      %get3A_191 = arith.index_cast %add3A_144 : i32 to index
      %get3A_192 = arith.constant 64 : index
      %get3A_193 = tpu.vector_load %arg9[%get3A_191, %get3A_192] {strides = array<i32>} : memref<128x128xf32, #tpu.memory_space<vmem>>, vector<1x16xf32>,
      %get3A_194 = vector.shape_cast %get3A_193 : vector<1x16xf32> to vector<16xf32>
      %mul3A_195 = arith.constant 11.3137083 : f32
      %mul3A_196 = vector.broadcast %mul3A_195 : f32 to vector<16xf32>
      %mul3A_197 = arith.mulf %get3A_194, %mul3A_196 : vector<16xf32>
      %swap3A_198 = arith.index_cast %add3A_144 : i32 to index
      %swap3A_199 = arith.constant 64 : index
      %swap3A_200 = tpu.vector_load %arg9[%swap3A_198, %swap3A_199] {strides = array<i32>} : memref<128x128xf32, #tpu.memory_space<vmem>>, vector<1x16xf32>,
      %swap3A_201 = vector.shape_cast %swap3A_200 : vector<1x16xf32> to vector<16xf32>
      %swap3A_202 = vector.shape_cast %mul3A_197 : vector<16xf32> to vector<1x16xf32>
      tpu.vector_store %arg9[%swap3A_198, %swap3A_199], %swap3A_202 {strides = array<i32>} : memref<128x128xf32, #tpu.memory_space<vmem>>, vector<1x16xf32>,
      %get3A_203 = arith.index_cast %add3A_144 : i32 to index
      %get3A_204 = arith.constant 80 : index
      %get3A_205 = tpu.vector_load %arg9[%get3A_203, %get3A_204] {strides = array<i32>} : memref<128x128xf32, #tpu.memory_space<vmem>>, vector<1x16xf32>,
      %get3A_206 = vector.shape_cast %get3A_205 : vector<1x16xf32> to vector<16xf32>
      %mul3A_207 = arith.constant 11.3137083 : f32
      %mul3A_208 = vector.broadcast %mul3A_207 : f32 to vector<16xf32>
      %mul3A_209 = arith.mulf %get3A_206, %mul3A_208 : vector<16xf32>
      %swap3A_210 = arith.index_cast %add3A_144 : i32 to index
      %swap3A_211 = arith.constant 80 : index
      %swap3A_212 = tpu.vector_load %arg9[%swap3A_210, %swap3A_211] {strides = array<i32>} : memref<128x128xf32, #tpu.memory_space<vmem>>, vector<1x16xf32>,
      %swap3A_213 = vector.shape_cast %swap3A_212 : vector<1x16xf32> to vector<16xf32>
      %swap3A_214 = vector.shape_cast %mul3A_209 : vector<16xf32> to vector<1x16xf32>
      tpu.vector_store %arg9[%swap3A_210, %swap3A_211], %swap3A_214 {strides = array<i32>} : memref<128x128xf32, #tpu.memory_space<vmem>>, vector<1x16xf32>,
      %get3A_215 = arith.index_cast %add3A_144 : i32 to index
      %get3A_216 = arith.constant 96 : index
      %get3A_217 = tpu.vector_load %arg9[%get3A_215, %get3A_216] {strides = array<i32>} : memref<128x128xf32, #tpu.memory_space<vmem>>, vector<1x16xf32>,
      %get3A_218 = vector.shape_cast %get3A_217 : vector<1x16xf32> to vector<16xf32>
      %mul3A_219 = arith.constant 11.3137083 : f32
      %mul3A_220 = vector.broadcast %mul3A_219 : f32 to vector<16xf32>
      %mul3A_221 = arith.mulf %get3A_218, %mul3A_220 : vector<16xf32>
      %swap3A_222 = arith.index_cast %add3A_144 : i32 to index
      %swap3A_223 = arith.constant 96 : index
      %swap3A_224 = tpu.vector_load %arg9[%swap3A_222, %swap3A_223] {strides = array<i32>} : memref<128x128xf32, #tpu.memory_space<vmem>>, vector<1x16xf32>,
      %swap3A_225 = vector.shape_cast %swap3A_224 : vector<1x16xf32> to vector<16xf32>
      %swap3A_226 = vector.shape_cast %mul3A_221 : vector<16xf32> to vector<1x16xf32>
      tpu.vector_store %arg9[%swap3A_222, %swap3A_223], %swap3A_226 {strides = array<i32>} : memref<128x128xf32, #tpu.memory_space<vmem>>, vector<1x16xf32>,
      %get3A_227 = arith.index_cast %add3A_144 : i32 to index
      %get3A_228 = arith.constant 112 : index
      %get3A_229 = tpu.vector_load %arg9[%get3A_227, %get3A_228] {strides = array<i32>} : memref<128x128xf32, #tpu.memory_space<vmem>>, vector<1x16xf32>,
      %get3A_230 = vector.shape_cast %get3A_229 : vector<1x16xf32> to vector<16xf32>
      %mul3A_231 = arith.constant 11.3137083 : f32
      %mul3A_232 = vector.broadcast %mul3A_231 : f32 to vector<16xf32>
      %mul3A_233 = arith.mulf %get3A_230, %mul3A_232 : vector<16xf32>
      %swap3A_234 = arith.index_cast %add3A_144 : i32 to index
      %swap3A_235 = arith.constant 112 : index
      %swap3A_236 = tpu.vector_load %arg9[%swap3A_234, %swap3A_235] {strides = array<i32>} : memref<128x128xf32, #tpu.memory_space<vmem>>, vector<1x16xf32>,
      %swap3A_237 = vector.shape_cast %swap3A_236 : vector<1x16xf32> to vector<16xf32>
      %swap3A_238 = vector.shape_cast %mul3A_233 : vector<16xf32> to vector<1x16xf32>
      tpu.vector_store %arg9[%swap3A_234, %swap3A_235], %swap3A_238 {strides = array<i32>} : memref<128x128xf32, #tpu.memory_space<vmem>>, vector<1x16xf32>,
    }
    %scan3A_87 = arith.constant 128 : i32
    %add3A_88 = arith.constant 25344 : i32
    %add3A_89 = arith.addi %mul3A_2, %add3A_88 : i32
    %dma_start3A_90 = arith.constant 0 : i32
    %dma_start3A_91 = tpu.memref_slice %arg4[%add3A_89, %dma_start3A_90] : memref<819200x128xf32, #tpu.memory_space<hbm>> -> memref<128x128xf32, #tpu.memory_space<hbm>>
    %dma_start3A_92 = arith.constant 0 : i32
    %dma_start3A_93 = tpu.memref_slice %arg4[%add3A_89, %dma_start3A_92] : memref<819200x128xf32, #tpu.memory_space<hbm>> -> memref<128x128xf32, #tpu.memory_space<hbm>>
    tpu.enqueue_dma source(%arg9 : memref<128x128xf32, #tpu.memory_space<vmem>>) target(%dma_start3A_93 : memref<128x128xf32, #tpu.memory_space<hbm>>) target_semaphore(%arg19 : memref<!tpu.dma_semaphore, #tpu.memory_space<semaphore_mem>>)
    %dma_wait3A_94 = arith.constant 25472 : i32
    %dma_wait3A_95 = tpu.memref_slice %arg5[%dma_wait3A_94] : memref<25600xi32, #tpu.memory_space<vmem>> -> memref<128xi32, #tpu.memory_space<vmem>>
    %dma_wait3A_96 = arith.constant 0 : i32
    %dma_wait3A_97 = arith.constant 0 : i32
    %dma_wait3A_98 = tpu.memref_slice %arg2[%dma_wait3A_96, %dma_wait3A_97] : memref<100000x128xf32, #tpu.memory_space<hbm>> -> memref<100000x128xf32, #tpu.memory_space<hbm>>
    tpu.wait_indirect_dma semaphore(%arg15 : memref<!tpu.dma_semaphore, #tpu.memory_space<semaphore_mem>>) src(%dma_wait3A_98 : memref<100000x128xf32, #tpu.memory_space<hbm>>) dst(%arg10 : memref<128x128xf32, #tpu.memory_space<vmem>>)
    %scan3A_99 = arith.constant 0 : i32
    %scan3A_100 = arith.constant 128 : i32
    %scan3A_101 = arith.addi %scan3A_99, %scan3A_100 : i32
    %scan3A_102 = arith.constant 1 : i32
    scf.for %scan3A_140 = %scan3A_99 to %scan3A_101 step %scan3A_102  : i32 {
      %mul3A_141 = arith.constant 1 : i32
      %mul3A_142 = arith.muli %scan3A_140, %mul3A_141 : i32
      %add3A_143 = arith.constant 0 : i32
      %add3A_144 = arith.addi %add3A_143, %mul3A_142 : i32
      %get3A = arith.index_cast %add3A_144 : i32 to index
      %get3A_145 = arith.constant 0 : index
      %get3A_146 = tpu.vector_load %arg10[%get3A, %get3A_145] {strides = array<i32>} : memref<128x128xf32, #tpu.memory_space<vmem>>, vector<1x16xf32>,
      %get3A_147 = vector.shape_cast %get3A_146 : vector<1x16xf32> to vector<16xf32>
      %mul3A_148 = arith.constant 11.3137083 : f32
      %mul3A_149 = vector.broadcast %mul3A_148 : f32 to vector<16xf32>
      %mul3A_150 = arith.mulf %get3A_147, %mul3A_149 : vector<16xf32>
      %swap3A = arith.index_cast %add3A_144 : i32 to index
      %swap3A_151 = arith.constant 0 : index
      %swap3A_152 = tpu.vector_load %arg10[%swap3A, %swap3A_151] {strides = array<i32>} : memref<128x128xf32, #tpu.memory_space<vmem>>, vector<1x16xf32>,
      %swap3A_153 = vector.shape_cast %swap3A_152 : vector<1x16xf32> to vector<16xf32>
      %swap3A_154 = vector.shape_cast %mul3A_150 : vector<16xf32> to vector<1x16xf32>
      tpu.vector_store %arg10[%swap3A, %swap3A_151], %swap3A_154 {strides = array<i32>} : memref<128x128xf32, #tpu.memory_space<vmem>>, vector<1x16xf32>,
      %get3A_155 = arith.index_cast %add3A_144 : i32 to index
      %get3A_156 = arith.constant 16 : index
      %get3A_157 = tpu.vector_load %arg10[%get3A_155, %get3A_156] {strides = array<i32>} : memref<128x128xf32, #tpu.memory_space<vmem>>, vector<1x16xf32>,
      %get3A_158 = vector.shape_cast %get3A_157 : vector<1x16xf32> to vector<16xf32>
      %mul3A_159 = arith.constant 11.3137083 : f32
      %mul3A_160 = vector.broadcast %mul3A_159 : f32 to vector<16xf32>
      %mul3A_161 = arith.mulf %get3A_158, %mul3A_160 : vector<16xf32>
      %swap3A_162 = arith.index_cast %add3A_144 : i32 to index
      %swap3A_163 = arith.constant 16 : index
      %swap3A_164 = tpu.vector_load %arg10[%swap3A_162, %swap3A_163] {strides = array<i32>} : memref<128x128xf32, #tpu.memory_space<vmem>>, vector<1x16xf32>,
      %swap3A_165 = vector.shape_cast %swap3A_164 : vector<1x16xf32> to vector<16xf32>
      %swap3A_166 = vector.shape_cast %mul3A_161 : vector<16xf32> to vector<1x16xf32>
      tpu.vector_store %arg10[%swap3A_162, %swap3A_163], %swap3A_166 {strides = array<i32>} : memref<128x128xf32, #tpu.memory_space<vmem>>, vector<1x16xf32>,
      %get3A_167 = arith.index_cast %add3A_144 : i32 to index
      %get3A_168 = arith.constant 32 : index
      %get3A_169 = tpu.vector_load %arg10[%get3A_167, %get3A_168] {strides = array<i32>} : memref<128x128xf32, #tpu.memory_space<vmem>>, vector<1x16xf32>,
      %get3A_170 = vector.shape_cast %get3A_169 : vector<1x16xf32> to vector<16xf32>
      %mul3A_171 = arith.constant 11.3137083 : f32
      %mul3A_172 = vector.broadcast %mul3A_171 : f32 to vector<16xf32>
      %mul3A_173 = arith.mulf %get3A_170, %mul3A_172 : vector<16xf32>
      %swap3A_174 = arith.index_cast %add3A_144 : i32 to index
      %swap3A_175 = arith.constant 32 : index
      %swap3A_176 = tpu.vector_load %arg10[%swap3A_174, %swap3A_175] {strides = array<i32>} : memref<128x128xf32, #tpu.memory_space<vmem>>, vector<1x16xf32>,
      %swap3A_177 = vector.shape_cast %swap3A_176 : vector<1x16xf32> to vector<16xf32>
      %swap3A_178 = vector.shape_cast %mul3A_173 : vector<16xf32> to vector<1x16xf32>
      tpu.vector_store %arg10[%swap3A_174, %swap3A_175], %swap3A_178 {strides = array<i32>} : memref<128x128xf32, #tpu.memory_space<vmem>>, vector<1x16xf32>,
      %get3A_179 = arith.index_cast %add3A_144 : i32 to index
      %get3A_180 = arith.constant 48 : index
      %get3A_181 = tpu.vector_load %arg10[%get3A_179, %get3A_180] {strides = array<i32>} : memref<128x128xf32, #tpu.memory_space<vmem>>, vector<1x16xf32>,
      %get3A_182 = vector.shape_cast %get3A_181 : vector<1x16xf32> to vector<16xf32>
      %mul3A_183 = arith.constant 11.3137083 : f32
      %mul3A_184 = vector.broadcast %mul3A_183 : f32 to vector<16xf32>
      %mul3A_185 = arith.mulf %get3A_182, %mul3A_184 : vector<16xf32>
      %swap3A_186 = arith.index_cast %add3A_144 : i32 to index
      %swap3A_187 = arith.constant 48 : index
      %swap3A_188 = tpu.vector_load %arg10[%swap3A_186, %swap3A_187] {strides = array<i32>} : memref<128x128xf32, #tpu.memory_space<vmem>>, vector<1x16xf32>,
      %swap3A_189 = vector.shape_cast %swap3A_188 : vector<1x16xf32> to vector<16xf32>
      %swap3A_190 = vector.shape_cast %mul3A_185 : vector<16xf32> to vector<1x16xf32>
      tpu.vector_store %arg10[%swap3A_186, %swap3A_187], %swap3A_190 {strides = array<i32>} : memref<128x128xf32, #tpu.memory_space<vmem>>, vector<1x16xf32>,
      %get3A_191 = arith.index_cast %add3A_144 : i32 to index
      %get3A_192 = arith.constant 64 : index
      %get3A_193 = tpu.vector_load %arg10[%get3A_191, %get3A_192] {strides = array<i32>} : memref<128x128xf32, #tpu.memory_space<vmem>>, vector<1x16xf32>,
      %get3A_194 = vector.shape_cast %get3A_193 : vector<1x16xf32> to vector<16xf32>
      %mul3A_195 = arith.constant 11.3137083 : f32
      %mul3A_196 = vector.broadcast %mul3A_195 : f32 to vector<16xf32>
      %mul3A_197 = arith.mulf %get3A_194, %mul3A_196 : vector<16xf32>
      %swap3A_198 = arith.index_cast %add3A_144 : i32 to index
      %swap3A_199 = arith.constant 64 : index
      %swap3A_200 = tpu.vector_load %arg10[%swap3A_198, %swap3A_199] {strides = array<i32>} : memref<128x128xf32, #tpu.memory_space<vmem>>, vector<1x16xf32>,
      %swap3A_201 = vector.shape_cast %swap3A_200 : vector<1x16xf32> to vector<16xf32>
      %swap3A_202 = vector.shape_cast %mul3A_197 : vector<16xf32> to vector<1x16xf32>
      tpu.vector_store %arg10[%swap3A_198, %swap3A_199], %swap3A_202 {strides = array<i32>} : memref<128x128xf32, #tpu.memory_space<vmem>>, vector<1x16xf32>,
      %get3A_203 = arith.index_cast %add3A_144 : i32 to index
      %get3A_204 = arith.constant 80 : index
      %get3A_205 = tpu.vector_load %arg10[%get3A_203, %get3A_204] {strides = array<i32>} : memref<128x128xf32, #tpu.memory_space<vmem>>, vector<1x16xf32>,
      %get3A_206 = vector.shape_cast %get3A_205 : vector<1x16xf32> to vector<16xf32>
      %mul3A_207 = arith.constant 11.3137083 : f32
      %mul3A_208 = vector.broadcast %mul3A_207 : f32 to vector<16xf32>
      %mul3A_209 = arith.mulf %get3A_206, %mul3A_208 : vector<16xf32>
      %swap3A_210 = arith.index_cast %add3A_144 : i32 to index
      %swap3A_211 = arith.constant 80 : index
      %swap3A_212 = tpu.vector_load %arg10[%swap3A_210, %swap3A_211] {strides = array<i32>} : memref<128x128xf32, #tpu.memory_space<vmem>>, vector<1x16xf32>,
      %swap3A_213 = vector.shape_cast %swap3A_212 : vector<1x16xf32> to vector<16xf32>
      %swap3A_214 = vector.shape_cast %mul3A_209 : vector<16xf32> to vector<1x16xf32>
      tpu.vector_store %arg10[%swap3A_210, %swap3A_211], %swap3A_214 {strides = array<i32>} : memref<128x128xf32, #tpu.memory_space<vmem>>, vector<1x16xf32>,
      %get3A_215 = arith.index_cast %add3A_144 : i32 to index
      %get3A_216 = arith.constant 96 : index
      %get3A_217 = tpu.vector_load %arg10[%get3A_215, %get3A_216] {strides = array<i32>} : memref<128x128xf32, #tpu.memory_space<vmem>>, vector<1x16xf32>,
      %get3A_218 = vector.shape_cast %get3A_217 : vector<1x16xf32> to vector<16xf32>
      %mul3A_219 = arith.constant 11.3137083 : f32
      %mul3A_220 = vector.broadcast %mul3A_219 : f32 to vector<16xf32>
      %mul3A_221 = arith.mulf %get3A_218, %mul3A_220 : vector<16xf32>
      %swap3A_222 = arith.index_cast %add3A_144 : i32 to index
      %swap3A_223 = arith.constant 96 : index
      %swap3A_224 = tpu.vector_load %arg10[%swap3A_222, %swap3A_223] {strides = array<i32>} : memref<128x128xf32, #tpu.memory_space<vmem>>, vector<1x16xf32>,
      %swap3A_225 = vector.shape_cast %swap3A_224 : vector<1x16xf32> to vector<16xf32>
      %swap3A_226 = vector.shape_cast %mul3A_221 : vector<16xf32> to vector<1x16xf32>
      tpu.vector_store %arg10[%swap3A_222, %swap3A_223], %swap3A_226 {strides = array<i32>} : memref<128x128xf32, #tpu.memory_space<vmem>>, vector<1x16xf32>,
      %get3A_227 = arith.index_cast %add3A_144 : i32 to index
      %get3A_228 = arith.constant 112 : index
      %get3A_229 = tpu.vector_load %arg10[%get3A_227, %get3A_228] {strides = array<i32>} : memref<128x128xf32, #tpu.memory_space<vmem>>, vector<1x16xf32>,
      %get3A_230 = vector.shape_cast %get3A_229 : vector<1x16xf32> to vector<16xf32>
      %mul3A_231 = arith.constant 11.3137083 : f32
      %mul3A_232 = vector.broadcast %mul3A_231 : f32 to vector<16xf32>
      %mul3A_233 = arith.mulf %get3A_230, %mul3A_232 : vector<16xf32>
      %swap3A_234 = arith.index_cast %add3A_144 : i32 to index
      %swap3A_235 = arith.constant 112 : index
      %swap3A_236 = tpu.vector_load %arg10[%swap3A_234, %swap3A_235] {strides = array<i32>} : memref<128x128xf32, #tpu.memory_space<vmem>>, vector<1x16xf32>,
      %swap3A_237 = vector.shape_cast %swap3A_236 : vector<1x16xf32> to vector<16xf32>
      %swap3A_238 = vector.shape_cast %mul3A_233 : vector<16xf32> to vector<1x16xf32>
      tpu.vector_store %arg10[%swap3A_234, %swap3A_235], %swap3A_238 {strides = array<i32>} : memref<128x128xf32, #tpu.memory_space<vmem>>, vector<1x16xf32>,
    }
    %scan3A_103 = arith.constant 128 : i32
    %add3A_104 = arith.constant 25472 : i32
    %add3A_105 = arith.addi %mul3A_2, %add3A_104 : i32
    %dma_start3A_106 = arith.constant 0 : i32
    %dma_start3A_107 = tpu.memref_slice %arg4[%add3A_105, %dma_start3A_106] : memref<819200x128xf32, #tpu.memory_space<hbm>> -> memref<128x128xf32, #tpu.memory_space<hbm>>
    %dma_start3A_108 = arith.constant 0 : i32
    %dma_start3A_109 = tpu.memref_slice %arg4[%add3A_105, %dma_start3A_108] : memref<819200x128xf32, #tpu.memory_space<hbm>> -> memref<128x128xf32, #tpu.memory_space<hbm>>
    tpu.enqueue_dma source(%arg10 : memref<128x128xf32, #tpu.memory_space<vmem>>) target(%dma_start3A_109 : memref<128x128xf32, #tpu.memory_space<hbm>>) target_semaphore(%arg20 : memref<!tpu.dma_semaphore, #tpu.memory_space<semaphore_mem>>)
    %add3A_110 = arith.constant 24960 : i32
    %add3A_111 = arith.addi %mul3A_2, %add3A_110 : i32
    %dma_wait3A_112 = arith.constant 0 : i32
    %dma_wait3A_113 = tpu.memref_slice %arg4[%add3A_111, %dma_wait3A_112] : memref<819200x128xf32, #tpu.memory_space<hbm>> -> memref<128x128xf32, #tpu.memory_space<hbm>>
    %dma_wait3A_114 = arith.constant 0 : i32
    %dma_wait3A_115 = tpu.memref_slice %arg4[%add3A_111, %dma_wait3A_114] : memref<819200x128xf32, #tpu.memory_space<hbm>> -> memref<128x128xf32, #tpu.memory_space<hbm>>
    tpu.wait_dma2 semaphore(%arg16 : memref<!tpu.dma_semaphore, #tpu.memory_space<semaphore_mem>>) src(%arg6 : memref<128x128xf32, #tpu.memory_space<vmem>>) dst(%dma_wait3A_115 : memref<128x128xf32, #tpu.memory_space<hbm>>)
    %add3A_116 = arith.constant 25088 : i32
    %add3A_117 = arith.addi %mul3A_2, %add3A_116 : i32
    %dma_wait3A_118 = arith.constant 0 : i32
    %dma_wait3A_119 = tpu.memref_slice %arg4[%add3A_117, %dma_wait3A_118] : memref<819200x128xf32, #tpu.memory_space<hbm>> -> memref<128x128xf32, #tpu.memory_space<hbm>>
    %dma_wait3A_120 = arith.constant 0 : i32
    %dma_wait3A_121 = tpu.memref_slice %arg4[%add3A_117, %dma_wait3A_120] : memref<819200x128xf32, #tpu.memory_space<hbm>> -> memref<128x128xf32, #tpu.memory_space<hbm>>
    tpu.wait_dma2 semaphore(%arg17 : memref<!tpu.dma_semaphore, #tpu.memory_space<semaphore_mem>>) src(%arg7 : memref<128x128xf32, #tpu.memory_space<vmem>>) dst(%dma_wait3A_121 : memref<128x128xf32, #tpu.memory_space<hbm>>)
    %add3A_122 = arith.constant 25216 : i32
    %add3A_123 = arith.addi %mul3A_2, %add3A_122 : i32
    %dma_wait3A_124 = arith.constant 0 : i32
    %dma_wait3A_125 = tpu.memref_slice %arg4[%add3A_123, %dma_wait3A_124] : memref<819200x128xf32, #tpu.memory_space<hbm>> -> memref<128x128xf32, #tpu.memory_space<hbm>>
    %dma_wait3A_126 = arith.constant 0 : i32
    %dma_wait3A_127 = tpu.memref_slice %arg4[%add3A_123, %dma_wait3A_126] : memref<819200x128xf32, #tpu.memory_space<hbm>> -> memref<128x128xf32, #tpu.memory_space<hbm>>
    tpu.wait_dma2 semaphore(%arg18 : memref<!tpu.dma_semaphore, #tpu.memory_space<semaphore_mem>>) src(%arg8 : memref<128x128xf32, #tpu.memory_space<vmem>>) dst(%dma_wait3A_127 : memref<128x128xf32, #tpu.memory_space<hbm>>)
    %add3A_128 = arith.constant 25344 : i32
    %add3A_129 = arith.addi %mul3A_2, %add3A_128 : i32
    %dma_wait3A_130 = arith.constant 0 : i32
    %dma_wait3A_131 = tpu.memref_slice %arg4[%add3A_129, %dma_wait3A_130] : memref<819200x128xf32, #tpu.memory_space<hbm>> -> memref<128x128xf32, #tpu.memory_space<hbm>>
    %dma_wait3A_132 = arith.constant 0 : i32
    %dma_wait3A_133 = tpu.memref_slice %arg4[%add3A_129, %dma_wait3A_132] : memref<819200x128xf32, #tpu.memory_space<hbm>> -> memref<128x128xf32, #tpu.memory_space<hbm>>
    tpu.wait_dma2 semaphore(%arg19 : memref<!tpu.dma_semaphore, #tpu.memory_space<semaphore_mem>>) src(%arg9 : memref<128x128xf32, #tpu.memory_space<vmem>>) dst(%dma_wait3A_133 : memref<128x128xf32, #tpu.memory_space<hbm>>)
    %add3A_134 = arith.constant 25472 : i32
    %add3A_135 = arith.addi %mul3A_2, %add3A_134 : i32
    %dma_wait3A_136 = arith.constant 0 : i32
    %dma_wait3A_137 = tpu.memref_slice %arg4[%add3A_135, %dma_wait3A_136] : memref<819200x128xf32, #tpu.memory_space<hbm>> -> memref<128x128xf32, #tpu.memory_space<hbm>>
    %dma_wait3A_138 = arith.constant 0 : i32
    %dma_wait3A_139 = tpu.memref_slice %arg4[%add3A_135, %dma_wait3A_138] : memref<819200x128xf32, #tpu.memory_space<hbm>> -> memref<128x128xf32, #tpu.memory_space<hbm>>
    tpu.wait_dma2 semaphore(%arg20 : memref<!tpu.dma_semaphore, #tpu.memory_space<semaphore_mem>>) src(%arg10 : memref<128x128xf32, #tpu.memory_space<vmem>>) dst(%dma_wait3A_139 : memref<128x128xf32, #tpu.memory_space<hbm>>)
    return
  }
}

</mosaic_0001>

<sc_bundles>
// kernel: kernel.3.cloned.1.call-start
scs
__scs_entry_jumppad:
0x0: {  	(pc) =	sbr.rel $0x88, $3  }
0x1: {  	(tag) =	ssettag $0x0;
	lr =	simm.s32 $0x1  }
0x2: {  	[smem:$0x3F9F] =	sst lr;
	_ =	strace $0xD0000000  }
0x3: {  	_ = 	snop  }
0x4: {  	_ = 	snop  }
0x5: {  	_ = 	snop  }
0x6: {  	_ = 	snop  }
0x7: {  	_ = 	snop  }
__scs_overlays_trampoline_lowered:
0x8: {  	[smem:$0x3FAE] =	sst s0  }
0x9: {  	[smem:$0x3FAF] =	sst s1  }
0xa: {  	[smem:$0x3FB0] =	sst s2  }
0xb: {  	[smem:$0x3FB1] =	sst s3  }
0xc: {  	[smem:$0x3FB2] =	sst s4  }
0xd: {  	[smem:$0x3FB3] =	sst s5  }
0xe: {  	[smem:$0x3FB4] =	sst s6  }
0xf: {  	[smem:$0x3FB5] =	sst s7  }
0x10: {  	[smem:$0x3FB6] =	sst s8  }
0x11: {  	[smem:$0x3FB7] =	sst s9;
	s0 =	simm.s32 @!p0 $0x0  }
0x12: {  	s1 =	sld [smem:$0x3F9D];
	s0 =	simm.s32 @p0 $0x1  }
0x13: {  	[smem:$0x3FB8] =	sst s0;
	s0 =	simm.s32 @!p1 $0x0  }
0x14: {  	s2 =	sld [smem:$0x3F9C];
	s0 =	simm.s32 @p1 $0x1  }
0x15: {  	[smem:$0x3FB9] =	sst s0;
	s0 =	simm.s32 @!p2 $0x0  }
0x16: {  	s3 =	sld [smem:$0x3FDB];
	s0 =	simm.s32 @p2 $0x1  }
0x17: {  	s4 =	simm.s32 $0x1BF5;
	[smem:$0x3FBB] =	sst s0  }
0x18: {  	s0 =	sld [smem:$0x3F9E];
	_ =	swait.ge [sflag:s4], $0x0  }
0x19: {  	s7 =	sld [smem:$0x3F9F]  }
0x1a: {  	s8 =	sadd.s32 $0xFFFFE003, lr  }
0x1b: {  	s9 =	sadd.s32 $0xFFFFFEF7, lr;
	s5 =	simm.s32 $0xFFFFFFFF;
	p2 =	slt.u32 s8, $0xFFFFF086  }
0x1c: {  	p1 =	slt.u32 s9, $0xF7A;
	s5 =	simm.s32 @!p2 $0x0  }
0x1d: {  	s5 =	simm.s32 @p1 $0x1;
	p0 =	seq.s32 s7, s2  }
0x1e: {  	s7 =	smul.u32 @!p0 $0xF7A, s2;
	p2 =	seq.s32 @!p0 s5, $0x0  }
0x1f: {  	s9 =	smul.u32 $0xF7A, s1;
	s8 =	simm.s32 @!p0 $0x1BF5;
	p2 =	por !p2, p0  }
0x20: {  	[sflag:s8] =	ssyncset.s32 @!p0 $0xFFFFF086;
	s6 =	sadd.s32 @!p0 s3, s7;
	s7 =	simm.s32 @!p0 $0x108  }
0x21: {  	s3 =	sadd.s32 s3, s9;
	s6 =	sadd.s32 @!p0 $0x88, s6;
	s7 =	simm.s32 @p2 $0x1082  }
0x22: {  	[simem:s7], [sflag:s8] =	dma.local @!p0 [hbm:s6], $0xF7A  }
0x23: {  	s9 =	sor.u32 $0xD0000000, s2;
	s6 =	simm.s32 $0x108;
	_ =	swait.ge @!p0 [sflag:s8], $0x0  }
0x24: {  	s3 =	sadd.s32 $0x88, s3;
	s6 =	simm.s32 @!p1 $0x1082;
	[sflag:s4] =	ssyncset.s32 $0xFFFFF086  }
0x25: {  	[simem:s6], [sflag:s4] =	dma.local [hbm:s3], $0xF7A  }
0x26: {  	[smem:$0x3F9F] =	sst s1;
	(tag) =	ssettag s2;
	_ =	strace s9  }
0x27: {  	s1 =	sld [smem:$0x3FAF]  }
0x28: {  	s2 =	sld [smem:$0x3FB0]  }
0x29: {  	s4 =	sld [smem:$0x3FB2]  }
0x2a: {  	p0 =	seq.s32 s5, $0x0;
	s5 =	sld [smem:$0x3FB3]  }
0x2b: {  	s6 =	sld [smem:$0x3FB4]  }
0x2c: {  	s7 =	sld [smem:$0x3FB5]  }
0x2d: {  	s3 =	simm.s32 $0x108;
	s8 =	sld [smem:$0x3FB6]  }
0x2e: {  	s3 =	simm.s32 @!p0 $0x1082;
	s9 =	sld [smem:$0x3FB7]  }
0x2f: {  	lr =	sadd.s32 s0, s3;
	s0 =	sld [smem:$0x3FAE]  }
0x30: {  	s3 =	sld [smem:$0x3FB1]  }
0x31: {  	[smem:$0x3FBA] =	sst s10  }
0x32: {  	s10 =	sld [smem:$0x3FB8];
	_ =	sdelay $0x3  }
0x33: {  	p0 =	seq.s32 s10, $0x1;
	s10 =	sld [smem:$0x3FBA];
	_ =	sdelay $0x3  }
0x34: {  	[smem:$0x3FBA] =	sst s10  }
0x35: {  	s10 =	sld [smem:$0x3FB9];
	_ =	sdelay $0x3  }
0x36: {  	p1 =	seq.s32 s10, $0x1;
	s10 =	sld [smem:$0x3FBA];
	_ =	sdelay $0x3  }
0x37: {  	[smem:$0x3FBA] =	sst s10  }
0x38: {  	s10 =	sld [smem:$0x3FBB]  }
0x39: {  	_ = 	snop;
	(pc) =	sbr.ind lr, $3  }
0x3a: {  	_ = 	snop  }
0x3b: {  	_ = 	snop  }
0x3c: {  	p2 =	seq.s32 s10, $0x1;
	s10 =	sld [smem:$0x3FBA]  }
0x3d: {  	_ =	shalt  }
0x3e: {  	_ =	shalt  }
0x3f: {  	_ =	shalt  }
0x40: {  	_ =	shalt  }
0x41: {  	_ =	shalt  }
0x42: {  	_ =	shalt  }
0x43: {  	_ =	shalt  }
0x44: {  	_ =	shalt  }
0x45: {  	_ =	shalt  }
0x46: {  	_ =	shalt  }
0x47: {  	_ =	shalt  }
0x48: {  	_ =	shalt  }
0x49: {  	_ =	shalt  }
0x4a: {  	_ =	shalt  }
0x4b: {  	_ =	shalt  }
0x4c: {  	_ =	shalt  }
0x4d: {  	_ =	shalt  }
0x4e: {  	_ =	shalt  }
0x4f: {  	_ =	shalt  }
0x50: {  	_ =	shalt  }
0x51: {  	_ =	shalt  }
0x52: {  	_ =	shalt  }
0x53: {  	_ =	shalt  }
0x54: {  	_ =	shalt  }
0x55: {  	_ =	shalt  }
0x56: {  	_ =	shalt  }
0x57: {  	_ =	shalt  }
0x58: {  	_ =	shalt  }
0x59: {  	_ =	shalt  }
0x5a: {  	_ =	shalt  }
0x5b: {  	_ =	shalt  }
0x5c: {  	_ =	shalt  }
0x5d: {  	_ =	shalt  }
0x5e: {  	_ =	shalt  }
0x5f: {  	_ =	shalt  }
0x60: {  	_ =	shalt  }
0x61: {  	_ =	shalt  }
0x62: {  	_ =	shalt  }
0x63: {  	_ =	shalt  }
0x64: {  	_ =	shalt  }
0x65: {  	_ =	shalt  }
0x66: {  	_ =	shalt  }
0x67: {  	_ =	shalt  }
0x68: {  	_ =	shalt  }
0x69: {  	_ =	shalt  }
0x6a: {  	_ =	shalt  }
0x6b: {  	_ =	shalt  }
0x6c: {  	_ =	shalt  }
0x6d: {  	_ =	shalt  }
0x6e: {  	_ =	shalt  }
0x6f: {  	_ =	shalt  }
0x70: {  	_ =	shalt  }
0x71: {  	_ =	shalt  }
0x72: {  	_ =	shalt  }
0x73: {  	_ =	shalt  }
0x74: {  	_ =	shalt  }
0x75: {  	_ =	shalt  }
0x76: {  	_ =	shalt  }
0x77: {  	_ =	shalt  }
0x78: {  	_ =	shalt  }
0x79: {  	_ =	shalt  }
0x7a: {  	_ =	shalt  }
0x7b: {  	_ =	shalt  }
0x7c: {  	_ =	shalt  }
0x7d: {  	_ =	shalt  }
0x7e: {  	_ =	shalt  }
0x7f: {  	_ =	shalt  }
0x80: {  	_ =	shalt  }
0x81: {  	_ =	shalt  }
0x82: {  	_ =	shalt  }
0x83: {  	_ =	shalt  }
0x84: {  	_ =	shalt  }
0x85: {  	_ =	shalt  }
0x86: {  	_ =	shalt  }
0x87: {  	_ =	shalt  }
.Lfunc_end0:
.L_simem_size_0:
called_computation_lowered:
.L_overlay_start_0:
0x88: {  	s2 =	sld [smem:$0x3FD9]  }
0x89: {  	s3 =	sld [smem:$0x3FFE];
	_ =	sdelay $0x1  }
0x8a: {  	s1 =	srdreg.scid  }
0x8b: {  	s0 =	sand.u32 $0x1, s1  }
0x8c: {  	s17 =	sshll.u32 s0, $0xA;
	s2 =	sadd.s32 s3, s2  }
0x8d: {  	s2 =	sadd.s32 s2, s17  }
0x8e: {  	[smem:$0x3FC6] =	sst s2  }
0x8f: {  	_ = 	snop  }
0x90: {  	s2 =	sld [smem:$0x3FC8]  }
0x91: {  	s18 =	sld [smem:$0x3FD0];
	(tm) =	ssettm $0x1  }
0x92: {  	s4 =	sld [smem:$0x3FFB];
	_ =	sdelay $0x3  }
0x93: {  	_ =	strace s4  }
0x94: {  	s4 =	sld [smem:$0x3FFC];
	_ =	sdelay $0x3  }
0x95: {  	_ =	strace s4  }
0x96: {  	s4 =	sld [smem:$0x3FFD];
	_ =	sdelay $0x3  }
0x97: {  	_ =	strace s4  }
0x98: {  	_ =	strace $0x8FFFFFFF  }
0x99: {  	s19 =	sld [smem:$0x3FDB];
	_ =	sdelay $0x1  }
0x9a: {  	s5 =	simm.s32 $_scs_section_size  }
0x9b: {  	s6 =	simm.s32 $_size__tile_overlayer_lowered;
	s7 =	simm.s32 $_tile_overlayer_lowered  }
0x9c: {  	s22 =	simm.s32 $0x1BFF;
	s21 =	sshll.u32 s7, $0x1;
	s4 =	sadd.s32 s5, s19  }
0x9d: {  	s8 =	simm.s32 $0x0;
	s20 =	sshll.u32 s6, $0x1;
	s6 =	sadd.s32 s21, s4  }
0x9e: {  	[timem:s8], [sflag:s22] =	dma.local [hbm:s6], s20  }
0x9f: {  	_ =	swait.ge [sflag:s22], s20  }
0xa0: {  	s5 =	ssub.s32 $0x0, s20;
	[sflag:s22] =	ssyncset.done $0x0  }
0xa1: {  	[sflag:s22] =	ssyncadd.s32 s5;
	_ =	sdelay $0x1  }
0xa2: {  	s23 =	simm.s32 $0x1B8B  }
0xa3: {  	_ =	swait.ge [sflag:s23], $0x1  }
0xa4: {  	[sflag:s23] =	ssyncset.done $0x0  }
0xa5: {  	s25 =	simm.s32 $0x1B8E;
	s24 =	sld [smem:$0x3FFE];
	[sflag:s23] =	ssyncadd.s32 $0xFFFFFFFF  }
0xa6: {  	s26 =	simm.s32 $execute0_lowered;
	[smem:$0x3FD2] =	sst s25  }
0xa7: {  	s6 =	sshll.u32 s26, $0x1;
	_ =	strace $0x80000046;
	[dreg:$0x1] =	wrdreg $0xFFFFFFFF  }
0xa8: {  	s28 =	simm.s32 $_size_execute0_lowered;
	s4 =	sadd.s32 s4, s6;
	[dreg:$0x0] =	wrdreg $0x0  }
0xa9: {  	s6 =	sshll.u32 s28, $0x1;
	[dreg:$0x2] =	wrdreg s4  }
0xaa: {  	[dreg:$0x3] =	wrdreg s6  }
0xab: {  	[dreg:$0x4] =	wrdreg $0xC0  }
0xac: {  	_ =	task [dreg:s8], $0x5FFFF  }
0xad: {  	[dreg:$0x1] =	wrdreg $0xFFFFFFFF  }
0xae: {  	[dreg:$0x0] =	wrdreg $0x60  }
0xaf: {  	[dreg:$0x2] =	wrdreg s2  }
0xb0: {  	[dreg:$0x3] =	wrdreg s24  }
0xb1: {  	[dreg:$0x4] =	wrdreg s18  }
0xb2: {  	[dreg:$0x5] =	wrdreg $0x9  }
0xb3: {  	_ =	task.clear_ibuf [dreg:s8], $0x6FFFF;
	_ =	strace $0x90000046  }
0xb4: {  	s29 =	simm.s32 $0x9;
	_ =	strace $0x80000048  }
0xb5: {  	_ =	swait.ge [sflag:s29], $0x1  }
0xb6: {  	[sflag:s29] =	ssyncadd.s32 $0xFFFFFFFF  }
0xb7: {  	_ =	strace $0x90000048  }
0xb8: {  	_ =	sfence  }
0xb9: {  	s30 =	sld [smem:$0x0];
	_ =	sdelay $0x2  }
0xba: {  	s31 =	sshll.u32 s1, $0xD;
	s1 =	sshrl.u32 s1, $0x2  }
0xbb: {  	s3 =	sand.u32 $0x4000, s31;
	s1 =	sadd.s32 s1, s30  }
0xbc: {  	s0 =	sor.u32 s3, s0;
	s1 =	sshll.u32 s1, $0x11  }
0xbd: {  	s0 =	sor.u32 s1, s0  }
0xbe: {  	s0 =	sadd.s32 $0x8F2B, s0  }
0xbf: {  	[sflag:s0] =	ssyncadd.remote.s32 $0x1  }
0xc0: {  	_ =	sfence.sel $0xFFFF  }
0xc1: {  	[dreg:$0x0] =	wrdreg $0xFFFFFFFF;
	(pc) =	sbr.abs _section_cstart, $3  }
0xc2: {  	[dreg:$0x1] =	wrdreg $0xFFFFFFFF  }
0xc3: {  	_ =	task.clear_ibuf [dreg:s8], $0x2FFFF;
	_ =	strace $0x9FFFFFFF  }
0xc4: {  	(tm) =	ssettm $0x7FFFFFFF  }
0xc5: {  	_ =	shalt  }
tec
execute0_lowered:
.L_overlay_start_1:
0x0: {  	(tag) =	ssettag $0x1  }
0x1: {  	s0 =	rddreg [dreg:$0x0]  }
0x2: {  	s2 =	rddreg [dreg:$0x1]  }
0x3: {  	s1 =	srdreg.scid;
	s3 =	rddreg [dreg:$0x2]  }
0x4: {  	s6 =	stileid.u32;
	s4 =	simm.s32 $0x0;
	s15 =	simm.s32 $0xB  }
0x5: {  	s16 =	simm.s32 $0x80;
	s17 =	simm.s32 $0x6400;
	s18 =	simm.s32 $0xA400  }
0x6: {  	s20 =	simm.s32 $0xE400;
	s21 =	simm.s32 $0x1;
	s1 =	sand.u32 $0x1, s1  }
0x7: {  	s28 =	simm.s32 $0x3;
	s29 =	simm.s32 $0x6;
	s5 =	sshll.u32 s1, $0x4  }
0x8: {  	s30 =	simm.s32 $0x4;
	s31 =	simm.s32 $0x7;
	s6 =	sor.u32 s6, s5  }
0x9: {  	s19 =	simm.s32 $0x9;
	s1 =	ssub.s32 $0x2, s1;
	s5 =	smul.u32 $0x6400, s6  }
0xa: {  	[smem:$0x7FF] =	sst s4;
	s22 =	sshrl.u32 s1, $0x1;
	s8 =	smul.u32 $0x64000, s6  }
0xb: {  	_ =	strace $0x80000047;
	s6 =	smul.u32 $0x320000, s6;
	s1 =	ssub.s32 s1, s22  }
0xc: {  	s22 =	simm.s32 $0xA;
	s1 =	smax.u32 s1, $0x1;
	s7 =	sshrl.u32 s5, $0x3  }
0xd: {  	s23 =	sadd.s32 s3, s8;
	s25 =	sshrl.u32 s6, $0x3;
	[dreg:$0xa] =	wrdreg s1  }
0xe: {  	s2 =	sadd.s32 s7, s2;
	s24 =	sadd.s32 $0x800, s23;
	[dreg:$0x5] =	wrdreg s23  }
0xf: {  	s10 =	sor.u32 $0x180, s5;
	s2 =	sadd.s32 $0x400, s2;
	[dreg:$0x6] =	wrdreg s24  }
0x10: {  	s11 =	sor.u32 $0x200, s5;
	[dreg:$0x4] =	wrdreg s2;
	s2 =	sadd.s32 $0x1000, s23  }
0x11: {  	s1 =	simm.s32 $0x5;
	[dreg:$0x7] =	wrdreg s2;
	s2 =	sadd.s32 s3, s25  }
0x12: {  	s24 =	simm.s32 $0x2;
	s23 =	simm.s32 $0x12400;
	s26 =	sadd.s32 $0x63000, s2  }
0x13: {  	s25 =	simm.s32 $0x0;
	s2 =	sadd.s32 $0x63800, s2;
	[dreg:$0x8] =	wrdreg s26  }
0x14: {  	[dreg:$0x9] =	wrdreg s2;
	s26 =	simm.s32 $0x16400;
	s2 =	simm.s32 $0x8  }
.LBB2_1:
0x15: {  	s6 =	rddreg [dreg:$0x4]  }
0x16: {  	[tilespmem:s4], [sflag:$0xB] =	stream.linear.gather [hbm4b:s6+s4], $0x6400, $0x38;
	[tilespmem:$0x1A400] =	vst v63  }
0x17: {  	_ =	swait.ge [sflag:s15], $0x6400  }
0x18: {  	[sflag:s15] =	ssyncset.done $0x0  }
0x19: {  	[sflag:s15] =	ssyncadd.s32 $0xFFFF9C00  }
0x1a: {  	[tilespmem:s17], [sflag:$0x1] =	stream.indirect.gather [hbm4b:s0+s16], $0x80, s4, s16, $0xb8;
	[tilespmem:$0x1A400] =	vst v63  }
0x1b: {  	_ = 	snop  }
0x1c: {  	[tilespmem:s18], [sflag:$0x2] =	stream.indirect.gather [hbm4b:s0+s16], $0x80, s16, s16, $0xb8;
	[tilespmem:$0x1A400] =	vst v63  }
0x1d: {  	s14 =	simm.s32 $0x100  }
0x1e: {  	[tilespmem:s20], [sflag:$0x3] =	stream.indirect.gather [hbm4b:s0+s16], $0x80, s14, s16, $0xb8;
	[tilespmem:$0x1A400] =	vst v63  }
0x1f: {  	_ =	swait.ge [sflag:s21], $0x4000  }
0x20: {  	[sflag:s21] =	ssyncset.done $0x0  }
0x21: {  	s6 =	simm.s32 $0x0;
	[sflag:s21] =	ssyncadd.s32 $0xFFFFC000  }
0x22: {  	v3 =	vld [tilespmem:s6+$0x6400]  }
0x23: {  	v5 =	vld [tilespmem:s6+$0x6410]  }
0x24: {  	v4 =	vld [tilespmem:s6+$0x6420]  }
0x25: {  	v2 =	vld [tilespmem:s6+$0x6430]  }
0x26: {  	v0 =	vld [tilespmem:s6+$0x6440]  }
0x27: {  	v1 =	vld [tilespmem:s6+$0x6450];
	v6 =	vmul.f32 $1.131370830e+01, v3  }
0x28: {  	s8 =	simm.s32 $0x200;
	v5 =	vmul.f32 $1.131370830e+01, v5;
	v3 =	vld [tilespmem:s6+$0x6460]  }
.LBB2_2:
0x29: {  	s9 =	sshra.s32 s8, $0x2;
	p0 =	sne.s32 s8, $0xFE00;
	[tilespmem:s6+$0x6400] =	vst v6;
	v4 =	vmul.f32 $1.131370830e+01, v4;
	v6 =	vld [tilespmem:s6+$0x6470]  }
0x2a: {  	v7 =	vld [tilespmem:s9+$0x6400];
	[tilespmem:s6+$0x6410] =	vst v5;
	v2 =	vmul.f32 $1.131370830e+01, v2  }
0x2b: {  	v5 =	vld [tilespmem:s9+$0x6410];
	[tilespmem:s6+$0x6420] =	vst v4;
	v0 =	vmul.f32 $1.131370830e+01, v0  }
.Ltmp0:
0x2c: {  	v4 =	vld [tilespmem:s9+$0x6420];
	[tilespmem:s6+$0x6430] =	vst v2;
	v1 =	vmul.f32 $1.131370830e+01, v1;
	(pc) =	sbr.rel @p0 .LBB2_2-.Ltmp0, $4  }
0x2d: {  	v2 =	vld [tilespmem:s9+$0x6430];
	[tilespmem:s6+$0x6440] =	vst v0;
	v3 =	vmul.f32 $1.131370830e+01, v3  }
0x2e: {  	v0 =	vld [tilespmem:s9+$0x6440];
	[tilespmem:s6+$0x6450] =	vst v1;
	v8 =	vmul.f32 $1.131370830e+01, v6  }
0x2f: {  	v6 =	vmul.f32 $1.131370830e+01, v7;
	v1 =	vld [tilespmem:s9+$0x6450];
	[tilespmem:s6+$0x6460] =	vst v3  }
0x30: {  	s8 =	sadd.s32 $0x200, s8;
	v5 =	vmul.f32 $1.131370830e+01, v5;
	v3 =	vld [tilespmem:s9+$0x6460];
	[tilespmem:s6+$0x6470] =	vst v8;
	s6 =	smov.u32 s9  }
0x31: {  	[tilespmem:s6+$0x6400] =	vst v6;
	v4 =	vmul.f32 $1.131370830e+01, v4;
	v6 =	vld [tilespmem:s6+$0x6470]  }
0x32: {  	[tilespmem:s6+$0x6410] =	vst v5;
	v2 =	vmul.f32 $1.131370830e+01, v2  }
0x33: {  	[tilespmem:s6+$0x6420] =	vst v4;
	v0 =	vmul.f32 $1.131370830e+01, v0  }
0x34: {  	[tilespmem:s6+$0x6430] =	vst v2;
	v1 =	vmul.f32 $1.131370830e+01, v1  }
0x35: {  	[tilespmem:s6+$0x6440] =	vst v0;
	v0 =	vmul.f32 $1.131370830e+01, v3  }
0x36: {  	[tilespmem:s6+$0x6450] =	vst v1;
	v1 =	vmul.f32 $1.131370830e+01, v6  }
0x37: {  	[tilespmem:s6+$0x6460] =	vst v0  }
0x38: {  	s13 =	simm.s32 $0x0;
	s7 =	rddreg [dreg:$0x5];
	[tilespmem:s6+$0x6470] =	vst v1  }
0x39: {  	[hbm4b:s7+s13] =	stream.linear.scatter [tilespmem:s17], [sflag:$0x6], $0x4000, $0x38;
	[tilespmem:$0x1A400] =	vst v63  }
0x3a: {  	s14 =	simm.s32 $0x180  }
0x3b: {  	[tilespmem:s23], [sflag:$0x4] =	stream.indirect.gather [hbm4b:s0+s16], $0x80, s14, s16, $0xb8;
	[tilespmem:$0x1A400] =	vst v63  }
0x3c: {  	_ =	swait.ge [sflag:s24], $0x4000  }
0x3d: {  	[sflag:s24] =	ssyncset.done $0x0  }
0x3e: {  	s6 =	simm.s32 $0x0;
	[sflag:s24] =	ssyncadd.s32 $0xFFFFC000  }
0x3f: {  	v3 =	vld [tilespmem:s6+$0xA400]  }
0x40: {  	v5 =	vld [tilespmem:s6+$0xA410]  }
0x41: {  	v4 =	vld [tilespmem:s6+$0xA420]  }
0x42: {  	v2 =	vld [tilespmem:s6+$0xA430]  }
0x43: {  	v0 =	vld [tilespmem:s6+$0xA440]  }
0x44: {  	v1 =	vld [tilespmem:s6+$0xA450];
	v6 =	vmul.f32 $1.131370830e+01, v3  }
0x45: {  	s8 =	simm.s32 $0x200;
	v5 =	vmul.f32 $1.131370830e+01, v5;
	v3 =	vld [tilespmem:s6+$0xA460]  }
.LBB2_4:
0x46: {  	s9 =	sshra.s32 s8, $0x2;
	p0 =	sne.s32 s8, $0xFE00;
	[tilespmem:s6+$0xA400] =	vst v6;
	v4 =	vmul.f32 $1.131370830e+01, v4;
	v6 =	vld [tilespmem:s6+$0xA470]  }
0x47: {  	v7 =	vld [tilespmem:s9+$0xA400];
	[tilespmem:s6+$0xA410] =	vst v5;
	v2 =	vmul.f32 $1.131370830e+01, v2  }
0x48: {  	v5 =	vld [tilespmem:s9+$0xA410];
	[tilespmem:s6+$0xA420] =	vst v4;
	v0 =	vmul.f32 $1.131370830e+01, v0  }
.Ltmp1:
0x49: {  	v4 =	vld [tilespmem:s9+$0xA420];
	[tilespmem:s6+$0xA430] =	vst v2;
	v1 =	vmul.f32 $1.131370830e+01, v1;
	(pc) =	sbr.rel @p0 .LBB2_4-.Ltmp1, $4  }
0x4a: {  	v2 =	vld [tilespmem:s9+$0xA430];
	[tilespmem:s6+$0xA440] =	vst v0;
	v3 =	vmul.f32 $1.131370830e+01, v3  }
0x4b: {  	v0 =	vld [tilespmem:s9+$0xA440];
	[tilespmem:s6+$0xA450] =	vst v1;
	v8 =	vmul.f32 $1.131370830e+01, v6  }
0x4c: {  	v6 =	vmul.f32 $1.131370830e+01, v7;
	v1 =	vld [tilespmem:s9+$0xA450];
	[tilespmem:s6+$0xA460] =	vst v3  }
0x4d: {  	s8 =	sadd.s32 $0x200, s8;
	v5 =	vmul.f32 $1.131370830e+01, v5;
	v3 =	vld [tilespmem:s9+$0xA460];
	[tilespmem:s6+$0xA470] =	vst v8;
	s6 =	smov.u32 s9  }
0x4e: {  	[tilespmem:s6+$0xA400] =	vst v6;
	v4 =	vmul.f32 $1.131370830e+01, v4;
	v6 =	vld [tilespmem:s6+$0xA470]  }
0x4f: {  	[tilespmem:s6+$0xA410] =	vst v5;
	v2 =	vmul.f32 $1.131370830e+01, v2  }
0x50: {  	[tilespmem:s6+$0xA420] =	vst v4;
	v0 =	vmul.f32 $1.131370830e+01, v0  }
0x51: {  	[tilespmem:s6+$0xA430] =	vst v2;
	v1 =	vmul.f32 $1.131370830e+01, v1  }
0x52: {  	[tilespmem:s6+$0xA440] =	vst v0;
	v0 =	vmul.f32 $1.131370830e+01, v3  }
0x53: {  	[tilespmem:s6+$0xA450] =	vst v1;
	v1 =	vmul.f32 $1.131370830e+01, v6  }
0x54: {  	[tilespmem:s6+$0xA460] =	vst v0  }
0x55: {  	s13 =	simm.s32 $0x0;
	s7 =	rddreg [dreg:$0x6];
	[tilespmem:s6+$0xA470] =	vst v1  }
0x56: {  	[hbm4b:s7+s13] =	stream.linear.scatter [tilespmem:s18], [sflag:$0x7], $0x4000, $0x38;
	[tilespmem:$0x1A400] =	vst v63  }
0x57: {  	s14 =	simm.s32 $0x200  }
0x58: {  	[tilespmem:s26], [sflag:$0x5] =	stream.indirect.gather [hbm4b:s0+s16], $0x80, s14, s16, $0xb8;
	[tilespmem:$0x1A400] =	vst v63  }
0x59: {  	_ =	swait.ge [sflag:s28], $0x4000  }
0x5a: {  	[sflag:s28] =	ssyncset.done $0x0  }
0x5b: {  	s6 =	simm.s32 $0x0;
	[sflag:s28] =	ssyncadd.s32 $0xFFFFC000  }
0x5c: {  	v3 =	vld [tilespmem:s6+$0xE400]  }
0x5d: {  	v5 =	vld [tilespmem:s6+$0xE410]  }
0x5e: {  	v4 =	vld [tilespmem:s6+$0xE420]  }
0x5f: {  	v2 =	vld [tilespmem:s6+$0xE430]  }
0x60: {  	v0 =	vld [tilespmem:s6+$0xE440]  }
0x61: {  	v1 =	vld [tilespmem:s6+$0xE450];
	v6 =	vmul.f32 $1.131370830e+01, v3  }
0x62: {  	s8 =	simm.s32 $0x200;
	v5 =	vmul.f32 $1.131370830e+01, v5;
	v3 =	vld [tilespmem:s6+$0xE460]  }
.LBB2_6:
0x63: {  	s9 =	sshra.s32 s8, $0x2;
	p0 =	sne.s32 s8, $0xFE00;
	[tilespmem:s6+$0xE400] =	vst v6;
	v4 =	vmul.f32 $1.131370830e+01, v4;
	v6 =	vld [tilespmem:s6+$0xE470]  }
0x64: {  	v7 =	vld [tilespmem:s9+$0xE400];
	[tilespmem:s6+$0xE410] =	vst v5;
	v2 =	vmul.f32 $1.131370830e+01, v2  }
0x65: {  	v5 =	vld [tilespmem:s9+$0xE410];
	[tilespmem:s6+$0xE420] =	vst v4;
	v0 =	vmul.f32 $1.131370830e+01, v0  }
.Ltmp2:
0x66: {  	v4 =	vld [tilespmem:s9+$0xE420];
	[tilespmem:s6+$0xE430] =	vst v2;
	v1 =	vmul.f32 $1.131370830e+01, v1;
	(pc) =	sbr.rel @p0 .LBB2_6-.Ltmp2, $4  }
0x67: {  	v2 =	vld [tilespmem:s9+$0xE430];
	[tilespmem:s6+$0xE440] =	vst v0;
	v3 =	vmul.f32 $1.131370830e+01, v3  }
0x68: {  	v0 =	vld [tilespmem:s9+$0xE440];
	[tilespmem:s6+$0xE450] =	vst v1;
	v8 =	vmul.f32 $1.131370830e+01, v6  }
0x69: {  	v6 =	vmul.f32 $1.131370830e+01, v7;
	v1 =	vld [tilespmem:s9+$0xE450];
	[tilespmem:s6+$0xE460] =	vst v3  }
0x6a: {  	s8 =	sadd.s32 $0x200, s8;
	v5 =	vmul.f32 $1.131370830e+01, v5;
	v3 =	vld [tilespmem:s9+$0xE460];
	[tilespmem:s6+$0xE470] =	vst v8;
	s6 =	smov.u32 s9  }
0x6b: {  	[tilespmem:s6+$0xE400] =	vst v6;
	v4 =	vmul.f32 $1.131370830e+01, v4;
	v61 =	vld [tilespmem:s6+$0xE470]  }
0x6c: {  	[tilespmem:s6+$0xE410] =	vst v5;
	v2 =	vmul.f32 $1.131370830e+01, v2  }
0x6d: {  	[tilespmem:s6+$0xE420] =	vst v4;
	v0 =	vmul.f32 $1.131370830e+01, v0  }
0x6e: {  	[tilespmem:s6+$0xE430] =	vst v2;
	v1 =	vmul.f32 $1.131370830e+01, v1  }
0x6f: {  	[tilespmem:s6+$0xE440] =	vst v0;
	v62 =	vmul.f32 $1.131370830e+01, v3  }
0x70: {  	[tilespmem:s6+$0xE450] =	vst v1;
	v63 =	vmul.f32 $1.131370830e+01, v61  }
0x71: {  	[tilespmem:s6+$0xE460] =	vst v62  }
0x72: {  	s7 =	rddreg [dreg:$0x7];
	[tilespmem:s6+$0xE470] =	vst v63;
	s6 =	simm.s32 $0x0  }
0x73: {  	[hbm4b:s7+s6] =	stream.linear.scatter [tilespmem:s20], [sflag:$0x8], $0x4000, $0x38;
	[tilespmem:$0x1A400] =	vst v63  }
.LBB2_8:
0x74: {  	_ =	swait.ge [sflag:s29], $0x4000;
	s9 =	smul.u32 $0x280, s6  }
0x75: {  	[sflag:s29] =	ssyncset.done $0x0  }
0x76: {  	[sflag:s29] =	ssyncadd.s32 $0xFFFFC000;
	s12 =	sadd.s32 $0x280, s9  }
0x77: {  	[tilespmem:s17], [sflag:$0x1] =	stream.indirect.gather [hbm4b:s0+s16], $0x80, s12, s16, $0xb8;
	[tilespmem:$0x1A400] =	vst v63  }
0x78: {  	_ =	swait.ge [sflag:s30], $0x4000  }
0x79: {  	[sflag:s30] =	ssyncset.done $0x0  }
0x7a: {  	s8 =	simm.s32 $0x0;
	[sflag:s30] =	ssyncadd.s32 $0xFFFFC000  }
0x7b: {  	v3 =	vld [tilespmem:s8+$0x12400]  }
0x7c: {  	v5 =	vld [tilespmem:s8+$0x12410]  }
0x7d: {  	v4 =	vld [tilespmem:s8+$0x12420]  }
0x7e: {  	v2 =	vld [tilespmem:s8+$0x12430]  }
0x7f: {  	v0 =	vld [tilespmem:s8+$0x12440]  }
0x80: {  	v1 =	vld [tilespmem:s8+$0x12450];
	v6 =	vmul.f32 $1.131370830e+01, v3  }
0x81: {  	s13 =	simm.s32 $0x200;
	v5 =	vmul.f32 $1.131370830e+01, v5;
	v3 =	vld [tilespmem:s8+$0x12460]  }
.LBB2_9:
0x82: {  	s14 =	sshra.s32 s13, $0x2;
	p0 =	sne.s32 s13, $0xFE00;
	[tilespmem:s8+$0x12400] =	vst v6;
	v4 =	vmul.f32 $1.131370830e+01, v4;
	v6 =	vld [tilespmem:s8+$0x12470]  }
0x83: {  	v7 =	vld [tilespmem:s14+$0x12400];
	[tilespmem:s8+$0x12410] =	vst v5;
	v2 =	vmul.f32 $1.131370830e+01, v2  }
0x84: {  	v5 =	vld [tilespmem:s14+$0x12410];
	[tilespmem:s8+$0x12420] =	vst v4;
	v0 =	vmul.f32 $1.131370830e+01, v0  }
.Ltmp3:
0x85: {  	v4 =	vld [tilespmem:s14+$0x12420];
	[tilespmem:s8+$0x12430] =	vst v2;
	v1 =	vmul.f32 $1.131370830e+01, v1;
	(pc) =	sbr.rel @p0 .LBB2_9-.Ltmp3, $4  }
0x86: {  	v2 =	vld [tilespmem:s14+$0x12430];
	[tilespmem:s8+$0x12440] =	vst v0;
	v3 =	vmul.f32 $1.131370830e+01, v3  }
0x87: {  	v0 =	vld [tilespmem:s14+$0x12440];
	[tilespmem:s8+$0x12450] =	vst v1;
	v8 =	vmul.f32 $1.131370830e+01, v6  }
0x88: {  	v6 =	vmul.f32 $1.131370830e+01, v7;
	v1 =	vld [tilespmem:s14+$0x12450];
	[tilespmem:s8+$0x12460] =	vst v3  }
0x89: {  	s13 =	sadd.s32 $0x200, s13;
	v5 =	vmul.f32 $1.131370830e+01, v5;
	v3 =	vld [tilespmem:s14+$0x12460];
	[tilespmem:s8+$0x12470] =	vst v8;
	s8 =	smov.u32 s14  }
0x8a: {  	[tilespmem:s8+$0x12400] =	vst v6;
	v4 =	vmul.f32 $1.131370830e+01, v4;
	v6 =	vld [tilespmem:s8+$0x12470]  }
0x8b: {  	[tilespmem:s8+$0x12410] =	vst v5;
	v2 =	vmul.f32 $1.131370830e+01, v2  }
0x8c: {  	[tilespmem:s8+$0x12420] =	vst v4;
	v0 =	vmul.f32 $1.131370830e+01, v0  }
0x8d: {  	[tilespmem:s8+$0x12430] =	vst v2;
	v1 =	vmul.f32 $1.131370830e+01, v1  }
0x8e: {  	[tilespmem:s8+$0x12440] =	vst v0;
	v0 =	vmul.f32 $1.131370830e+01, v3  }
0x8f: {  	s13 =	sadd.s32 s9, s10;
	[tilespmem:s8+$0x12450] =	vst v1;
	v1 =	vmul.f32 $1.131370830e+01, v6  }
0x90: {  	s13 =	sshll.u32 s13, $0x4;
	[tilespmem:s8+$0x12460] =	vst v0  }
0x91: {  	s14 =	simm.s32 $0x0;
	s13 =	sadd.s32 s3, s13;
	[tilespmem:s8+$0x12470] =	vst v1  }
0x92: {  	[hbm4b:s13+s14] =	stream.linear.scatter [tilespmem:s23], [sflag:$0x9], $0x4000, $0x38;
	[tilespmem:$0x1A400] =	vst v63  }
0x93: {  	_ =	swait.ge [sflag:s31], $0x4000  }
0x94: {  	[sflag:s31] =	ssyncset.done $0x0  }
0x95: {  	s8 =	sadd.s32 $0x300, s9;
	[sflag:s31] =	ssyncadd.s32 $0xFFFFC000  }
0x96: {  	[tilespmem:s18], [sflag:$0x2] =	stream.indirect.gather [hbm4b:s0+s16], $0x80, s8, s16, $0xb8;
	[tilespmem:$0x1A400] =	vst v63  }
0x97: {  	_ =	swait.ge [sflag:s1], $0x4000  }
0x98: {  	[sflag:s1] =	ssyncset.done $0x0  }
0x99: {  	s13 =	simm.s32 $0x0;
	[sflag:s1] =	ssyncadd.s32 $0xFFFFC000  }
0x9a: {  	v3 =	vld [tilespmem:s13+$0x16400]  }
0x9b: {  	v5 =	vld [tilespmem:s13+$0x16410]  }
0x9c: {  	v4 =	vld [tilespmem:s13+$0x16420]  }
0x9d: {  	v2 =	vld [tilespmem:s13+$0x16430]  }
0x9e: {  	v0 =	vld [tilespmem:s13+$0x16440]  }
0x9f: {  	v1 =	vld [tilespmem:s13+$0x16450];
	v6 =	vmul.f32 $1.131370830e+01, v3  }
0xa0: {  	s14 =	simm.s32 $0x200;
	v5 =	vmul.f32 $1.131370830e+01, v5;
	v3 =	vld [tilespmem:s13+$0x16460]  }
.LBB2_11:
0xa1: {  	s7 =	sshra.s32 s14, $0x2;
	p0 =	sne.s32 s14, $0xFE00;
	[tilespmem:s13+$0x16400] =	vst v6;
	v4 =	vmul.f32 $1.131370830e+01, v4;
	v6 =	vld [tilespmem:s13+$0x16470]  }
0xa2: {  	v7 =	vld [tilespmem:s7+$0x16400];
	[tilespmem:s13+$0x16410] =	vst v5;
	v2 =	vmul.f32 $1.131370830e+01, v2  }
0xa3: {  	v5 =	vld [tilespmem:s7+$0x16410];
	[tilespmem:s13+$0x16420] =	vst v4;
	v0 =	vmul.f32 $1.131370830e+01, v0  }
.Ltmp4:
0xa4: {  	v4 =	vld [tilespmem:s7+$0x16420];
	[tilespmem:s13+$0x16430] =	vst v2;
	v1 =	vmul.f32 $1.131370830e+01, v1;
	(pc) =	sbr.rel @p0 .LBB2_11-.Ltmp4, $4  }
0xa5: {  	v2 =	vld [tilespmem:s7+$0x16430];
	[tilespmem:s13+$0x16440] =	vst v0;
	v3 =	vmul.f32 $1.131370830e+01, v3  }
0xa6: {  	v0 =	vld [tilespmem:s7+$0x16440];
	[tilespmem:s13+$0x16450] =	vst v1;
	v8 =	vmul.f32 $1.131370830e+01, v6  }
0xa7: {  	v6 =	vmul.f32 $1.131370830e+01, v7;
	v1 =	vld [tilespmem:s7+$0x16450];
	[tilespmem:s13+$0x16460] =	vst v3  }
0xa8: {  	s14 =	sadd.s32 $0x200, s14;
	v5 =	vmul.f32 $1.131370830e+01, v5;
	v3 =	vld [tilespmem:s7+$0x16460];
	[tilespmem:s13+$0x16470] =	vst v8;
	s13 =	smov.u32 s7  }
0xa9: {  	[tilespmem:s13+$0x16400] =	vst v6;
	v4 =	vmul.f32 $1.131370830e+01, v4;
	v6 =	vld [tilespmem:s13+$0x16470]  }
0xaa: {  	[tilespmem:s13+$0x16410] =	vst v5;
	v2 =	vmul.f32 $1.131370830e+01, v2  }
0xab: {  	[tilespmem:s13+$0x16420] =	vst v4;
	v0 =	vmul.f32 $1.131370830e+01, v0  }
0xac: {  	[tilespmem:s13+$0x16430] =	vst v2;
	v1 =	vmul.f32 $1.131370830e+01, v1  }
0xad: {  	[tilespmem:s13+$0x16440] =	vst v0;
	v0 =	vmul.f32 $1.131370830e+01, v3  }
0xae: {  	s7 =	sadd.s32 s9, s11;
	[tilespmem:s13+$0x16450] =	vst v1;
	v1 =	vmul.f32 $1.131370830e+01, v6  }
0xaf: {  	s7 =	sshll.u32 s7, $0x4;
	[tilespmem:s13+$0x16460] =	vst v0  }
0xb0: {  	s14 =	simm.s32 $0x0;
	s7 =	sadd.s32 s3, s7;
	[tilespmem:s13+$0x16470] =	vst v1  }
0xb1: {  	[hbm4b:s7+s14] =	stream.linear.scatter [tilespmem:s26], [sflag:$0xA], $0x4000, $0x38;
	[tilespmem:$0x1A400] =	vst v63  }
0xb2: {  	_ =	swait.ge [sflag:s2], $0x4000  }
0xb3: {  	[sflag:s2] =	ssyncset.done $0x0  }
0xb4: {  	s9 =	sadd.s32 $0x380, s9;
	[sflag:s2] =	ssyncadd.s32 $0xFFFFC000  }
0xb5: {  	[tilespmem:s20], [sflag:$0x3] =	stream.indirect.gather [hbm4b:s0+s16], $0x80, s9, s16, $0xb8;
	[tilespmem:$0x1A400] =	vst v63  }
0xb6: {  	_ =	swait.ge [sflag:s21], $0x4000  }
0xb7: {  	[sflag:s21] =	ssyncset.done $0x0  }
0xb8: {  	s13 =	simm.s32 $0x0;
	[sflag:s21] =	ssyncadd.s32 $0xFFFFC000  }
0xb9: {  	v3 =	vld [tilespmem:s13+$0x6400]  }
0xba: {  	v5 =	vld [tilespmem:s13+$0x6410]  }
0xbb: {  	v4 =	vld [tilespmem:s13+$0x6420]  }
0xbc: {  	v2 =	vld [tilespmem:s13+$0x6430]  }
0xbd: {  	v0 =	vld [tilespmem:s13+$0x6440]  }
0xbe: {  	v1 =	vld [tilespmem:s13+$0x6450];
	v6 =	vmul.f32 $1.131370830e+01, v3  }
0xbf: {  	s14 =	simm.s32 $0x200;
	v5 =	vmul.f32 $1.131370830e+01, v5;
	v3 =	vld [tilespmem:s13+$0x6460]  }
.LBB2_13:
0xc0: {  	s7 =	sshra.s32 s14, $0x2;
	p0 =	sne.s32 s14, $0xFE00;
	[tilespmem:s13+$0x6400] =	vst v6;
	v4 =	vmul.f32 $1.131370830e+01, v4;
	v6 =	vld [tilespmem:s13+$0x6470]  }
0xc1: {  	v7 =	vld [tilespmem:s7+$0x6400];
	[tilespmem:s13+$0x6410] =	vst v5;
	v2 =	vmul.f32 $1.131370830e+01, v2  }
0xc2: {  	v5 =	vld [tilespmem:s7+$0x6410];
	[tilespmem:s13+$0x6420] =	vst v4;
	v0 =	vmul.f32 $1.131370830e+01, v0  }
.Ltmp5:
0xc3: {  	v4 =	vld [tilespmem:s7+$0x6420];
	[tilespmem:s13+$0x6430] =	vst v2;
	v1 =	vmul.f32 $1.131370830e+01, v1;
	(pc) =	sbr.rel @p0 .LBB2_13-.Ltmp5, $4  }
0xc4: {  	v2 =	vld [tilespmem:s7+$0x6430];
	[tilespmem:s13+$0x6440] =	vst v0;
	v3 =	vmul.f32 $1.131370830e+01, v3  }
0xc5: {  	v0 =	vld [tilespmem:s7+$0x6440];
	[tilespmem:s13+$0x6450] =	vst v1;
	v8 =	vmul.f32 $1.131370830e+01, v6  }
0xc6: {  	v6 =	vmul.f32 $1.131370830e+01, v7;
	v1 =	vld [tilespmem:s7+$0x6450];
	[tilespmem:s13+$0x6460] =	vst v3  }
0xc7: {  	s14 =	sadd.s32 $0x200, s14;
	v5 =	vmul.f32 $1.131370830e+01, v5;
	v3 =	vld [tilespmem:s7+$0x6460];
	[tilespmem:s13+$0x6470] =	vst v8;
	s13 =	smov.u32 s7  }
0xc8: {  	[tilespmem:s13+$0x6400] =	vst v6;
	v4 =	vmul.f32 $1.131370830e+01, v4;
	v6 =	vld [tilespmem:s13+$0x6470]  }
0xc9: {  	[tilespmem:s13+$0x6410] =	vst v5;
	v2 =	vmul.f32 $1.131370830e+01, v2  }
0xca: {  	[tilespmem:s13+$0x6420] =	vst v4;
	v0 =	vmul.f32 $1.131370830e+01, v0  }
0xcb: {  	[tilespmem:s13+$0x6430] =	vst v2;
	v1 =	vmul.f32 $1.131370830e+01, v1  }
0xcc: {  	[tilespmem:s13+$0x6440] =	vst v0;
	v0 =	vmul.f32 $1.131370830e+01, v3  }
0xcd: {  	s7 =	sadd.s32 s5, s12;
	[tilespmem:s13+$0x6450] =	vst v1;
	v1 =	vmul.f32 $1.131370830e+01, v6  }
0xce: {  	s7 =	sshll.u32 s7, $0x4;
	[tilespmem:s13+$0x6460] =	vst v0  }
0xcf: {  	s14 =	smul.u32 $0xA00, s6;
	s7 =	sadd.s32 s3, s7;
	[tilespmem:s13+$0x6470] =	vst v1;
	s13 =	simm.s32 $0x0  }
0xd0: {  	[hbm4b:s7+s13] =	stream.linear.scatter [tilespmem:s17], [sflag:$0x6], $0x4000, $0x38;
	[tilespmem:$0x1A400] =	vst v63  }
0xd1: {  	_ =	swait.ge [sflag:s19], $0x4000  }
0xd2: {  	s12 =	sshra.s32 s14, $0x2;
	[sflag:s19] =	ssyncset.done $0x0  }
0xd3: {  	s7 =	sadd.s32 $0x400, s12;
	[sflag:s19] =	ssyncadd.s32 $0xFFFFC000  }
0xd4: {  	[tilespmem:s23], [sflag:$0x4] =	stream.indirect.gather [hbm4b:s0+s16], $0x80, s7, s16, $0xb8;
	[tilespmem:$0x1A400] =	vst v63  }
0xd5: {  	_ =	swait.ge [sflag:s24], $0x4000  }
0xd6: {  	[sflag:s24] =	ssyncset.done $0x0  }
0xd7: {  	s13 =	simm.s32 $0x0;
	[sflag:s24] =	ssyncadd.s32 $0xFFFFC000  }
0xd8: {  	v3 =	vld [tilespmem:s13+$0xA400]  }
0xd9: {  	v5 =	vld [tilespmem:s13+$0xA410]  }
0xda: {  	v4 =	vld [tilespmem:s13+$0xA420]  }
0xdb: {  	v2 =	vld [tilespmem:s13+$0xA430]  }
0xdc: {  	v0 =	vld [tilespmem:s13+$0xA440]  }
0xdd: {  	v1 =	vld [tilespmem:s13+$0xA450];
	v6 =	vmul.f32 $1.131370830e+01, v3  }
0xde: {  	s14 =	simm.s32 $0x200;
	v5 =	vmul.f32 $1.131370830e+01, v5;
	v3 =	vld [tilespmem:s13+$0xA460]  }
.LBB2_15:
0xdf: {  	s7 =	sshra.s32 s14, $0x2;
	p0 =	sne.s32 s14, $0xFE00;
	[tilespmem:s13+$0xA400] =	vst v6;
	v4 =	vmul.f32 $1.131370830e+01, v4;
	v6 =	vld [tilespmem:s13+$0xA470]  }
0xe0: {  	v7 =	vld [tilespmem:s7+$0xA400];
	[tilespmem:s13+$0xA410] =	vst v5;
	v2 =	vmul.f32 $1.131370830e+01, v2  }
0xe1: {  	v5 =	vld [tilespmem:s7+$0xA410];
	[tilespmem:s13+$0xA420] =	vst v4;
	v0 =	vmul.f32 $1.131370830e+01, v0  }
.Ltmp6:
0xe2: {  	v4 =	vld [tilespmem:s7+$0xA420];
	[tilespmem:s13+$0xA430] =	vst v2;
	v1 =	vmul.f32 $1.131370830e+01, v1;
	(pc) =	sbr.rel @p0 .LBB2_15-.Ltmp6, $4  }
0xe3: {  	v2 =	vld [tilespmem:s7+$0xA430];
	[tilespmem:s13+$0xA440] =	vst v0;
	v3 =	vmul.f32 $1.131370830e+01, v3  }
0xe4: {  	v0 =	vld [tilespmem:s7+$0xA440];
	[tilespmem:s13+$0xA450] =	vst v1;
	v8 =	vmul.f32 $1.131370830e+01, v6  }
0xe5: {  	v6 =	vmul.f32 $1.131370830e+01, v7;
	v1 =	vld [tilespmem:s7+$0xA450];
	[tilespmem:s13+$0xA460] =	vst v3  }
0xe6: {  	s14 =	sadd.s32 $0x200, s14;
	v5 =	vmul.f32 $1.131370830e+01, v5;
	v3 =	vld [tilespmem:s7+$0xA460];
	[tilespmem:s13+$0xA470] =	vst v8;
	s13 =	smov.u32 s7  }
0xe7: {  	[tilespmem:s13+$0xA400] =	vst v6;
	v4 =	vmul.f32 $1.131370830e+01, v4;
	v6 =	vld [tilespmem:s13+$0xA470]  }
0xe8: {  	[tilespmem:s13+$0xA410] =	vst v5;
	v2 =	vmul.f32 $1.131370830e+01, v2  }
0xe9: {  	[tilespmem:s13+$0xA420] =	vst v4;
	v0 =	vmul.f32 $1.131370830e+01, v0  }
0xea: {  	[tilespmem:s13+$0xA430] =	vst v2;
	v1 =	vmul.f32 $1.131370830e+01, v1  }
0xeb: {  	[tilespmem:s13+$0xA440] =	vst v0;
	v0 =	vmul.f32 $1.131370830e+01, v3  }
0xec: {  	s7 =	sadd.s32 s5, s8;
	[tilespmem:s13+$0xA450] =	vst v1;
	v1 =	vmul.f32 $1.131370830e+01, v6  }
0xed: {  	s7 =	sshll.u32 s7, $0x4;
	[tilespmem:s13+$0xA460] =	vst v0  }
0xee: {  	s7 =	sadd.s32 s3, s7;
	[tilespmem:s13+$0xA470] =	vst v1;
	s13 =	simm.s32 $0x0  }
0xef: {  	[hbm4b:s7+s13] =	stream.linear.scatter [tilespmem:s18], [sflag:$0x7], $0x4000, $0x38;
	[tilespmem:$0x1A400] =	vst v63  }
0xf0: {  	_ =	swait.ge [sflag:s22], $0x4000  }
0xf1: {  	[sflag:s22] =	ssyncset.done $0x0  }
0xf2: {  	s14 =	sadd.s32 $0x480, s12;
	[sflag:s22] =	ssyncadd.s32 $0xFFFFC000  }
0xf3: {  	[tilespmem:s26], [sflag:$0x5] =	stream.indirect.gather [hbm4b:s0+s16], $0x80, s14, s16, $0xb8;
	[tilespmem:$0x1A400] =	vst v63  }
0xf4: {  	_ =	swait.ge [sflag:s28], $0x4000  }
0xf5: {  	[sflag:s28] =	ssyncset.done $0x0  }
0xf6: {  	s8 =	simm.s32 $0x0;
	[sflag:s28] =	ssyncadd.s32 $0xFFFFC000  }
0xf7: {  	v3 =	vld [tilespmem:s8+$0xE400]  }
0xf8: {  	v5 =	vld [tilespmem:s8+$0xE410]  }
0xf9: {  	v4 =	vld [tilespmem:s8+$0xE420]  }
0xfa: {  	v2 =	vld [tilespmem:s8+$0xE430]  }
0xfb: {  	v0 =	vld [tilespmem:s8+$0xE440]  }
0xfc: {  	v1 =	vld [tilespmem:s8+$0xE450];
	v6 =	vmul.f32 $1.131370830e+01, v3  }
0xfd: {  	s12 =	simm.s32 $0x200;
	v5 =	vmul.f32 $1.131370830e+01, v5;
	v3 =	vld [tilespmem:s8+$0xE460]  }
.LBB2_17:
0xfe: {  	s7 =	sshra.s32 s12, $0x2;
	p0 =	sne.s32 s12, $0xFE00;
	[tilespmem:s8+$0xE400] =	vst v6;
	v4 =	vmul.f32 $1.131370830e+01, v4;
	v6 =	vld [tilespmem:s8+$0xE470]  }
0xff: {  	v7 =	vld [tilespmem:s7+$0xE400];
	[tilespmem:s8+$0xE410] =	vst v5;
	v2 =	vmul.f32 $1.131370830e+01, v2  }
0x100: {  	v5 =	vld [tilespmem:s7+$0xE410];
	[tilespmem:s8+$0xE420] =	vst v4;
	v0 =	vmul.f32 $1.131370830e+01, v0  }
.Ltmp7:
0x101: {  	v4 =	vld [tilespmem:s7+$0xE420];
	[tilespmem:s8+$0xE430] =	vst v2;
	v1 =	vmul.f32 $1.131370830e+01, v1;
	(pc) =	sbr.rel @p0 .LBB2_17-.Ltmp7, $4  }
0x102: {  	v2 =	vld [tilespmem:s7+$0xE430];
	[tilespmem:s8+$0xE440] =	vst v0;
	v3 =	vmul.f32 $1.131370830e+01, v3  }
0x103: {  	v0 =	vld [tilespmem:s7+$0xE440];
	[tilespmem:s8+$0xE450] =	vst v1;
	v8 =	vmul.f32 $1.131370830e+01, v6  }
0x104: {  	v6 =	vmul.f32 $1.131370830e+01, v7;
	v1 =	vld [tilespmem:s7+$0xE450];
	[tilespmem:s8+$0xE460] =	vst v3  }
0x105: {  	s12 =	sadd.s32 $0x200, s12;
	v5 =	vmul.f32 $1.131370830e+01, v5;
	v3 =	vld [tilespmem:s7+$0xE460];
	[tilespmem:s8+$0xE470] =	vst v8;
	s8 =	smov.u32 s7  }
0x106: {  	[tilespmem:s8+$0xE400] =	vst v6;
	v4 =	vmul.f32 $1.131370830e+01, v4;
	v61 =	vld [tilespmem:s8+$0xE470]  }
0x107: {  	[tilespmem:s8+$0xE410] =	vst v5;
	v2 =	vmul.f32 $1.131370830e+01, v2  }
0x108: {  	s6 =	sadd.s32 $0x1, s6;
	[tilespmem:s8+$0xE420] =	vst v4;
	v0 =	vmul.f32 $1.131370830e+01, v0  }
0x109: {  	p0 =	sne.s32 s6, $0x27;
	[tilespmem:s8+$0xE430] =	vst v2;
	v1 =	vmul.f32 $1.131370830e+01, v1  }
.Ltmp8:
0x10a: {  	[tilespmem:s8+$0xE440] =	vst v0;
	v62 =	vmul.f32 $1.131370830e+01, v3;
	(pc) =	sbr.rel @p0 .LBB2_8-.Ltmp8, $4  }
0x10b: {  	s7 =	sadd.s32 s5, s9;
	[tilespmem:s8+$0xE450] =	vst v1;
	v63 =	vmul.f32 $1.131370830e+01, v61  }
0x10c: {  	s7 =	sshll.u32 s7, $0x4;
	[tilespmem:s8+$0xE460] =	vst v62  }
0x10d: {  	s7 =	sadd.s32 s3, s7;
	[tilespmem:s8+$0xE470] =	vst v63  }
0x10e: {  	[hbm4b:s7+s4] =	stream.linear.scatter [tilespmem:s20], [sflag:$0x8], $0x4000, $0x38;
	[tilespmem:$0x1A400] =	vst v63  }
0x10f: {  	_ =	swait.ge [sflag:s30], $0x4000  }
0x110: {  	[sflag:s30] =	ssyncset.done $0x0  }
0x111: {  	s6 =	simm.s32 $0x0;
	[sflag:s30] =	ssyncadd.s32 $0xFFFFC000  }
0x112: {  	v3 =	vld [tilespmem:s6+$0x12400]  }
0x113: {  	v5 =	vld [tilespmem:s6+$0x12410]  }
0x114: {  	v4 =	vld [tilespmem:s6+$0x12420]  }
0x115: {  	v2 =	vld [tilespmem:s6+$0x12430]  }
0x116: {  	v0 =	vld [tilespmem:s6+$0x12440]  }
0x117: {  	v1 =	vld [tilespmem:s6+$0x12450];
	v6 =	vmul.f32 $1.131370830e+01, v3  }
0x118: {  	s8 =	simm.s32 $0x200;
	v5 =	vmul.f32 $1.131370830e+01, v5;
	v3 =	vld [tilespmem:s6+$0x12460]  }
.LBB2_20:
0x119: {  	s7 =	sshra.s32 s8, $0x2;
	p0 =	sne.s32 s8, $0xFE00;
	[tilespmem:s6+$0x12400] =	vst v6;
	v4 =	vmul.f32 $1.131370830e+01, v4;
	v6 =	vld [tilespmem:s6+$0x12470]  }
0x11a: {  	v7 =	vld [tilespmem:s7+$0x12400];
	[tilespmem:s6+$0x12410] =	vst v5;
	v2 =	vmul.f32 $1.131370830e+01, v2  }
0x11b: {  	v5 =	vld [tilespmem:s7+$0x12410];
	[tilespmem:s6+$0x12420] =	vst v4;
	v0 =	vmul.f32 $1.131370830e+01, v0  }
.Ltmp9:
0x11c: {  	v4 =	vld [tilespmem:s7+$0x12420];
	[tilespmem:s6+$0x12430] =	vst v2;
	v1 =	vmul.f32 $1.131370830e+01, v1;
	(pc) =	sbr.rel @p0 .LBB2_20-.Ltmp9, $4  }
0x11d: {  	v2 =	vld [tilespmem:s7+$0x12430];
	[tilespmem:s6+$0x12440] =	vst v0;
	v3 =	vmul.f32 $1.131370830e+01, v3  }
0x11e: {  	v0 =	vld [tilespmem:s7+$0x12440];
	[tilespmem:s6+$0x12450] =	vst v1;
	v8 =	vmul.f32 $1.131370830e+01, v6  }
0x11f: {  	v6 =	vmul.f32 $1.131370830e+01, v7;
	v1 =	vld [tilespmem:s7+$0x12450];
	[tilespmem:s6+$0x12460] =	vst v3  }
0x120: {  	s8 =	sadd.s32 $0x200, s8;
	v5 =	vmul.f32 $1.131370830e+01, v5;
	v3 =	vld [tilespmem:s7+$0x12460];
	[tilespmem:s6+$0x12470] =	vst v8;
	s6 =	smov.u32 s7  }
0x121: {  	[tilespmem:s6+$0x12400] =	vst v6;
	v4 =	vmul.f32 $1.131370830e+01, v4;
	v6 =	vld [tilespmem:s6+$0x12470]  }
0x122: {  	[tilespmem:s6+$0x12410] =	vst v5;
	v2 =	vmul.f32 $1.131370830e+01, v2  }
0x123: {  	[tilespmem:s6+$0x12420] =	vst v4;
	v0 =	vmul.f32 $1.131370830e+01, v0  }
0x124: {  	[tilespmem:s6+$0x12430] =	vst v2;
	v1 =	vmul.f32 $1.131370830e+01, v1  }
0x125: {  	[tilespmem:s6+$0x12440] =	vst v0;
	v0 =	vmul.f32 $1.131370830e+01, v3  }
0x126: {  	[tilespmem:s6+$0x12450] =	vst v1;
	v1 =	vmul.f32 $1.131370830e+01, v6  }
0x127: {  	[tilespmem:s6+$0x12460] =	vst v0  }
0x128: {  	s14 =	simm.s32 $0x0;
	s7 =	rddreg [dreg:$0x8];
	[tilespmem:s6+$0x12470] =	vst v1  }
0x129: {  	[hbm4b:s7+s14] =	stream.linear.scatter [tilespmem:s23], [sflag:$0x9], $0x4000, $0x38;
	[tilespmem:$0x1A400] =	vst v63  }
0x12a: {  	_ =	swait.ge [sflag:s1], $0x4000  }
0x12b: {  	[sflag:s1] =	ssyncset.done $0x0  }
0x12c: {  	s6 =	simm.s32 $0x0;
	[sflag:s1] =	ssyncadd.s32 $0xFFFFC000  }
0x12d: {  	v3 =	vld [tilespmem:s6+$0x16400]  }
0x12e: {  	v5 =	vld [tilespmem:s6+$0x16410]  }
0x12f: {  	v4 =	vld [tilespmem:s6+$0x16420]  }
0x130: {  	v2 =	vld [tilespmem:s6+$0x16430]  }
0x131: {  	v0 =	vld [tilespmem:s6+$0x16440]  }
0x132: {  	v1 =	vld [tilespmem:s6+$0x16450];
	v6 =	vmul.f32 $1.131370830e+01, v3  }
0x133: {  	s8 =	simm.s32 $0x200;
	v5 =	vmul.f32 $1.131370830e+01, v5;
	v3 =	vld [tilespmem:s6+$0x16460]  }
.LBB2_22:
0x134: {  	s7 =	sshra.s32 s8, $0x2;
	p0 =	sne.s32 s8, $0xFE00;
	[tilespmem:s6+$0x16400] =	vst v6;
	v4 =	vmul.f32 $1.131370830e+01, v4;
	v6 =	vld [tilespmem:s6+$0x16470]  }
0x135: {  	v7 =	vld [tilespmem:s7+$0x16400];
	[tilespmem:s6+$0x16410] =	vst v5;
	v2 =	vmul.f32 $1.131370830e+01, v2  }
0x136: {  	v5 =	vld [tilespmem:s7+$0x16410];
	[tilespmem:s6+$0x16420] =	vst v4;
	v0 =	vmul.f32 $1.131370830e+01, v0  }
.Ltmp10:
0x137: {  	v4 =	vld [tilespmem:s7+$0x16420];
	[tilespmem:s6+$0x16430] =	vst v2;
	v1 =	vmul.f32 $1.131370830e+01, v1;
	(pc) =	sbr.rel @p0 .LBB2_22-.Ltmp10, $4  }
0x138: {  	v2 =	vld [tilespmem:s7+$0x16430];
	[tilespmem:s6+$0x16440] =	vst v0;
	v3 =	vmul.f32 $1.131370830e+01, v3  }
0x139: {  	v0 =	vld [tilespmem:s7+$0x16440];
	[tilespmem:s6+$0x16450] =	vst v1;
	v8 =	vmul.f32 $1.131370830e+01, v6  }
0x13a: {  	v6 =	vmul.f32 $1.131370830e+01, v7;
	v1 =	vld [tilespmem:s7+$0x16450];
	[tilespmem:s6+$0x16460] =	vst v3  }
0x13b: {  	s8 =	sadd.s32 $0x200, s8;
	v5 =	vmul.f32 $1.131370830e+01, v5;
	v3 =	vld [tilespmem:s7+$0x16460];
	[tilespmem:s6+$0x16470] =	vst v8;
	s6 =	smov.u32 s7  }
0x13c: {  	[tilespmem:s6+$0x16400] =	vst v6;
	v4 =	vmul.f32 $1.131370830e+01, v4;
	v61 =	vld [tilespmem:s6+$0x16470]  }
0x13d: {  	[tilespmem:s6+$0x16410] =	vst v5;
	v2 =	vmul.f32 $1.131370830e+01, v2  }
0x13e: {  	[tilespmem:s6+$0x16420] =	vst v4;
	v0 =	vmul.f32 $1.131370830e+01, v0  }
0x13f: {  	[tilespmem:s6+$0x16430] =	vst v2;
	v1 =	vmul.f32 $1.131370830e+01, v1  }
0x140: {  	[tilespmem:s6+$0x16440] =	vst v0;
	v62 =	vmul.f32 $1.131370830e+01, v3  }
0x141: {  	[tilespmem:s6+$0x16450] =	vst v1;
	v63 =	vmul.f32 $1.131370830e+01, v61  }
0x142: {  	[tilespmem:s6+$0x16460] =	vst v62  }
0x143: {  	s13 =	rddreg [dreg:$0x9];
	[tilespmem:s6+$0x16470] =	vst v63  }
0x144: {  	[hbm4b:s13+s4] =	stream.linear.scatter [tilespmem:s26], [sflag:$0xA], $0x4000, $0x38;
	[tilespmem:$0x1A400] =	vst v63  }
0x145: {  	_ =	swait.ge [sflag:s29], $0x4000  }
0x146: {  	[sflag:s29] =	ssyncset.done $0x0  }
0x147: {  	[sflag:s29] =	ssyncadd.s32 $0xFFFFC000  }
0x148: {  	_ =	swait.ge [sflag:s31], $0x4000  }
0x149: {  	[sflag:s31] =	ssyncset.done $0x0  }
0x14a: {  	[sflag:s31] =	ssyncadd.s32 $0xFFFFC000  }
0x14b: {  	_ =	swait.ge [sflag:s2], $0x4000  }
0x14c: {  	[sflag:s2] =	ssyncset.done $0x0  }
0x14d: {  	[sflag:s2] =	ssyncadd.s32 $0xFFFFC000  }
0x14e: {  	_ =	swait.ge [sflag:s19], $0x4000  }
0x14f: {  	[sflag:s19] =	ssyncset.done $0x0  }
0x150: {  	[sflag:s19] =	ssyncadd.s32 $0xFFFFC000  }
0x151: {  	_ =	swait.ge [sflag:s22], $0x4000  }
0x152: {  	s25 =	sadd.s32 $0x1, s25;
	s14 =	rddreg [dreg:$0xa]  }
0x153: {  	p0 =	sne.s32 s25, s14  }
.Ltmp11:
0x154: {  	_ = 	snop;
	(pc) =	sbr.rel @p0 .LBB2_1-.Ltmp11, $3  }
0x155: {  	_ =	sdelay $0x1  }
0x156: {  	[sflag:s22] =	ssyncset.done $0x0  }
0x157: {  	[sflag:s22] =	ssyncadd.s32 $0xFFFFC000  }
0x158: {  	_ =	sfence.sel $0x180000  }
0x159: {  	[bflag:$0x0] =	sbarrier.arrive $0xFFFF  }
0x15a: {  	_ =	strace $0x90000047  }
0x15b: {  	s0 =	stileid.u32;
	[bflag:$0x2] =	sbarrier.arrive $0xFFFF  }
0x15c: {  	p0 =	sne.s32 s0, $0x0;
	s0 =	rddreg [dreg:$0x3]  }
0x15d: {  	s0 =	sadd.s32 @!p0 $0x100000, s0  }
0x15e: {  	[sflag:s0] =	ssyncadd.tile.s32 @!p0 $0x1;
	_ =	shalt  }
.Lfunc_end2:
_tile_overlayer_lowered:
.L_overlay_start_2:
0x15f: {  	(tag) =	ssettag $0x2  }
0x160: {  	s0 =	rddreg [dreg:$0x0];
	s2 =	stileid.u32  }
0x161: {  	s1 =	rddreg [dreg:$0x1];
	p0 =	sne.s32 s2, $0x0  }
0x162: {  	s3 =	rddreg [dreg:$0x2];
	[bflag:$0x3] =	sbarrier.arrive $0xFFFF;
	s2 =	simm.s32 @!p0 $0x1C0B  }
0x163: {  	[timem:s3], [sflag:s2] =	dma.local @!p0 [hbm:s0], s1  }
0x164: {  	s0 =	simm.s32 @!p0 $0xB  }
0x165: {  	_ =	swait.ge @!p0 [sflag:s0], s1  }
0x166: {  	s1 =	ssub.s32 @!p0 $0x0, s1;
	[sflag:s0] =	ssyncset.done @!p0 $0x0  }
0x167: {  	[sflag:s0] =	ssyncadd.s32 @!p0 s1  }
0x168: {  	[bflag:$0x3] =	sbarrier.arrive $0xFFFF  }
0x169: {  	_ =	shalt  }

</sc_bundles>
